<compile_context>
chip_gen: v7x
topology: tpu7x:2x2x1
jax: 0.10.2.dev20260603
libtpu: 0.0.44.dev20260713+nightly
codegen_flags: <defaults>
</compile_context>

<pallas_src>
import functools

import jax
import jax.numpy as jnp
from jax import lax
from jax.experimental import pallas as pl
from jax.experimental.pallas import tpu as pltpu
from jax.experimental.pallas import tpu_sc as plsc




def _make_sc_agg(n_rows, n_export, e_pad, d, C):
    NC, NS = 2, 16
    NW = NC * NS
    epw = e_pad // NW
    nch = epw // C
    assert nch * NW * C == e_pad and nch >= 6
    exp_r = 400
    nck = n_export // exp_r
    assert nck * exp_r == n_export
    npass = -(-nck // NS)

    mesh = plsc.VectorSubcoreMesh(core_axis_name="c", subcore_axis_name="s")

    @functools.partial(
        pl.kernel,
        mesh=mesh,
        compiler_params=pltpu.CompilerParams(use_tc_tiling_on_sc=False),
        out_type=[
            jax.ShapeDtypeStruct((NC, n_export, d), jnp.float32),
            jax.ShapeDtypeStruct((NC, n_export, 16), jnp.float32),
        ],
        scratch_types=[
            pltpu.MemorySpace.VMEM_SHARED((n_rows, d), jnp.float32),
            pltpu.MemorySpace.VMEM_SHARED((n_rows, 16), jnp.float32),
            pltpu.MemorySpace.VMEM((3, 2, C), jnp.int32),
            pltpu.MemorySpace.VMEM((3, C), jnp.int32),
            pltpu.MemorySpace.VMEM((3, C, d), jnp.float32),
            pltpu.MemorySpace.VMEM((C, 16), jnp.float32),
            pltpu.SemaphoreType.DMA,
            pltpu.SemaphoreType.DMA,
            pltpu.SemaphoreType.DMA,
            pltpu.SemaphoreType.DMA,
            pltpu.SemaphoreType.DMA,
            pltpu.SemaphoreType.DMA,
            pltpu.SemaphoreType.DMA,
            pltpu.SemaphoreType.DMA,
            pltpu.SemaphoreType.DMA,
            pltpu.SemaphoreType.DMA,
        ],
    )
    def sc_agg(h_hbm, edges_hbm, zf_hbm, zd_hbm, ones_hbm, feat_hbm, deg_hbm,
               acc_f, acc_d, idx2, sidx, rows, ones,
               sem_i, sem_g0, sem_g1, sem_g2,
               sem_s0, sem_s1, sem_s2, sem_d0, sem_d1, sem_d2):
        c = lax.axis_index("c")
        s = lax.axis_index("s")
        w = c * NS + s
        sem_g = (sem_g0, sem_g1, sem_g2)
        sem_s = (sem_s0, sem_s1, sem_s2)
        sem_d = (sem_d0, sem_d1, sem_d2)

        pltpu.sync_copy(ones_hbm, ones)
        for k in range(npass):
            ck = s + NS * k

            @pl.when(ck < nck)
            def _():
                pltpu.sync_copy(zf_hbm, acc_f.at[pl.ds(ck * exp_r, exp_r)])
                pltpu.sync_copy(zd_hbm, acc_d.at[pl.ds(ck * exp_r, exp_r)])

        plsc.subcore_barrier()

        def idx_start(j, b):
            pltpu.async_copy(
                edges_hbm.at[:, pl.ds(w * epw + j * C, C)], idx2.at[b], sem_i)

        def idx_wait(b):
            pltpu.make_async_copy(
                edges_hbm.at[:, pl.ds(0, C)], idx2.at[b], sem_i).wait()

        def gather_start(b):
            pltpu.async_copy(h_hbm.at[idx2.at[b, 0]], rows.at[b], sem_g[b])

        def gather_wait(b):
            pltpu.make_async_copy(
                h_hbm.at[idx2.at[b, 0]], rows.at[b], sem_g[b]).wait()

        def scatter_start(b):
            for v in range(C // 16):
                sidx[b, pl.ds(16 * v, 16)] = idx2[b, 1, pl.ds(16 * v, 16)]
            pltpu.async_copy(rows.at[b], acc_f.at[sidx.at[b]], sem_s[b],
                             add=True)
            pltpu.async_copy(ones, acc_d.at[sidx.at[b]], sem_d[b], add=True)

        def scatter_drain(b):
            pltpu.make_async_copy(rows.at[b], acc_f.at[sidx.at[b]],
                                  sem_s[b]).wait()
            pltpu.make_async_copy(ones, acc_d.at[sidx.at[b]],
                                  sem_d[b]).wait()

        idx_start(0, 0)

        def body(jj, carry):
            for r in range(3):
                j = 3 * jj + r

                idx_wait(r)

                @pl.when(j >= 3)
                def _():
                    scatter_drain(r)

                gather_start(r)

                @pl.when(j < nch - 1)
                def _():
                    idx_start(j + 1, (r + 1) % 3)

                @pl.when(j >= 1)
                def _():
                    gather_wait((r + 2) % 3)
                    scatter_start((r + 2) % 3)
            return carry

        lax.fori_loop(0, nch // 3, body, 0)
        for t in range(nch - nch // 3 * 3):
            j = nch // 3 * 3 + t
            idx_wait(t)
            scatter_drain(t)
            gather_start(t)
            if j < nch - 1:
                idx_start(j + 1, (t + 1) % 3)
            gather_wait((t + 2) % 3)
            scatter_start((t + 2) % 3)
        bl = (nch - 1) % 3
        gather_wait(bl)
        scatter_start(bl)
        scatter_drain((nch - 3) % 3)
        scatter_drain((nch - 2) % 3)
        scatter_drain(bl)
        plsc.subcore_barrier()

        for k in range(npass):
            ck = s + NS * k

            @pl.when(ck < nck)
            def _():
                r0 = ck * exp_r
                pltpu.sync_copy(acc_f.at[pl.ds(r0, exp_r)],
                                feat_hbm.at[c, pl.ds(r0, exp_r)])
                pltpu.sync_copy(acc_d.at[pl.ds(r0, exp_r)],
                                deg_hbm.at[c, pl.ds(r0, exp_r)])

    return sc_agg




def _tc_body(h_ref, f_ref, d_ref, ws_ref, wn_ref, b_ref, o_ref):
    agg = f_ref[0] + f_ref[1]
    deg = d_ref[0, :, 0:1] + d_ref[1, :, 0:1]
    h_neigh = agg / jnp.maximum(deg, 1.0)
    ws = jnp.mean(ws_ref[...], axis=0)
    wn = jnp.mean(wn_ref[...], axis=0)
    bm = jnp.mean(b_ref[...], axis=0)
    o_ref[...] = (
        jnp.dot(h_ref[...], ws, preferred_element_type=jnp.float32)
        + jnp.dot(h_neigh, wn, preferred_element_type=jnp.float32)
        + bm[None, :]
    )


def _tc_final(h, feat, deg, W_self, W_neigh, b):
    n, in_dim = h.shape
    nh = W_self.shape[0]
    out_dim = W_self.shape[2]
    R = 2000
    assert n % R == 0
    grid = (n // R,)
    return pl.pallas_call(
        _tc_body,
        grid=grid,
        in_specs=[
            pl.BlockSpec((R, in_dim), lambda i: (i, 0)),
            pl.BlockSpec((2, R, in_dim), lambda i: (0, i, 0)),
            pl.BlockSpec((2, R, 16), lambda i: (0, i, 0)),
            pl.BlockSpec((nh, in_dim, out_dim), lambda i: (0, 0, 0)),
            pl.BlockSpec((nh, in_dim, out_dim), lambda i: (0, 0, 0)),
            pl.BlockSpec((nh, out_dim), lambda i: (0, 0)),
        ],
        out_specs=pl.BlockSpec((R, out_dim), lambda i: (i, 0)),
        out_shape=jax.ShapeDtypeStruct((n, out_dim), jnp.float32),
    )(h, feat, deg, W_self, W_neigh, b)




def kernel(h, edge_index, W_self, W_neigh, b):
    n, in_dim = h.shape
    e = edge_index.shape[1]
    C = 80
    step = 32 * C
    e_pad = -(-e // step) * step
    n_rows = n + 8

    ei = edge_index.astype(jnp.int32)
    if e_pad != e:
        npad = e_pad - e
        pad = jnp.stack(
            [jnp.arange(npad, dtype=jnp.int32) % n,
             jnp.full((npad,), n, jnp.int32)],
            axis=0)
        ei = jnp.concatenate([ei, pad], axis=1)
    zeros_feat = jnp.zeros((400, in_dim), jnp.float32)
    zeros_deg = jnp.zeros((400, 16), jnp.float32)
    ones_c = jnp.ones((C, 16), jnp.float32)
    sc_agg = _make_sc_agg(n_rows, n, e_pad, in_dim, C)
    feat, deg = sc_agg(h, ei, zeros_feat, zeros_deg, ones_c)
    return _tc_final(h, feat, deg, W_self, W_neigh, b)

# --- scband reference (transcript-rebuilt; emitter-appended) ---
"""Pipeline reference for scband-multi-head-sage-layer-66168266162367 (READ-ONLY COPY).

The authoritative reference and input builder live on the scoring server;
editing this copy changes nothing except your own understanding.
"""

import jax, jax.numpy as jnp
import numpy as np

N_NODES = 10000
N_EDGES = 320000
IN_DIM = 128
OUT_DIM = 128
NUM_HEADS = 4


def setup_inputs(seed: int = 0) -> dict:
    key = jax.random.key(seed)
    k1, k2, k3, k4, k5 = jax.random.split(key, 5)
    h = jax.random.normal(k1, (N_NODES, IN_DIM), dtype=jnp.float32)
    edge_index = jax.random.randint(k2, (2, N_EDGES), 0, N_NODES, dtype=jnp.int64)
    # Per-head SAGEConv parameters (fc_self, fc_neigh, bias), stacked over heads.
    scale = 1.0 / np.sqrt(IN_DIM)
    W_self = jax.random.uniform(k3, (NUM_HEADS, IN_DIM, OUT_DIM), dtype=jnp.float32, minval=-scale, maxval=scale)
    W_neigh = jax.random.uniform(k4, (NUM_HEADS, IN_DIM, OUT_DIM), dtype=jnp.float32, minval=-scale, maxval=scale)
    b = jax.random.uniform(k5, (NUM_HEADS, OUT_DIM), dtype=jnp.float32, minval=-scale, maxval=scale)
    return {"h": h, "edge_index": edge_index, "W_self": W_self, "W_neigh": W_neigh, "b": b}


def reference(h, edge_index, W_self, W_neigh, b):
    # MultiHeadSageLayer with merge='mean': run NUM_HEADS SAGEConv(mean) heads, average outputs.
    src = edge_index[0]
    dst = edge_index[1]
    n = h.shape[0]
    e = edge_index.shape[1]
    # mean aggregation of source features onto destination nodes (copy_u -> mean)
    msg = jnp.take(h, src, axis=0)                      # gather  [E, IN_DIM]
    agg = jax.ops.segment_sum(msg, dst, num_segments=n)  # scatter-add [N, IN_DIM]
    deg = jax.ops.segment_sum(jnp.ones((e,), dtype=h.dtype), dst, num_segments=n)
    h_neigh = agg / jnp.maximum(deg, 1.0)[:, None]      # zero in-degree -> 0
    # per-head: fc_self(h) + fc_neigh(h_neigh) + bias
    outs = (jnp.einsum('nd,hdo->hno', h, W_self)
            + jnp.einsum('nd,hdo->hno', h_neigh, W_neigh)
            + b[:, None, :])                             # [H, N, OUT_DIM]
    rst = jnp.mean(outs, axis=0)                         # merge='mean'
    return rst

if __name__ == "__main__":
    import jax
    _d = setup_inputs()
    print(jax.jit(kernel)(*tuple(_d.values())))

</pallas_src>

<mosaic_0001>
#map = affine_map<(d0, d1) -> (0, 0)>
#map1 = affine_map<(d0, d1) -> (0, 0, 0)>
module attributes {stable_mosaic.version = 14 : i64} {
  func.func @sc_agg(%arg0: i32, %arg1: i32, %arg2: memref<10000x128xf32, #tpu.memory_space<hbm>>, %arg3: memref<2x320000xi32, #tpu.memory_space<hbm>>, %arg4: memref<400x128xf32, #tpu.memory_space<hbm>>, %arg5: memref<400x16xf32, #tpu.memory_space<hbm>>, %arg6: memref<80x16xf32, #tpu.memory_space<hbm>>, %arg7: memref<2x10000x128xf32, #tpu.memory_space<hbm>>, %arg8: memref<2x10000x16xf32, #tpu.memory_space<hbm>>, %arg9: memref<10008x128xf32, #tpu.memory_space<vmem_shared>>, %arg10: memref<10008x16xf32, #tpu.memory_space<vmem_shared>>, %arg11: memref<3x2x80xi32, #tpu.memory_space<vmem>>, %arg12: memref<3x80xi32, #tpu.memory_space<vmem>>, %arg13: memref<3x80x128xf32, #tpu.memory_space<vmem>>, %arg14: memref<80x16xf32, #tpu.memory_space<vmem>>, %arg15: memref<!tpu.dma_semaphore, #tpu.memory_space<semaphore_mem>>, %arg16: memref<!tpu.dma_semaphore, #tpu.memory_space<semaphore_mem>>, %arg17: memref<!tpu.dma_semaphore, #tpu.memory_space<semaphore_mem>>, %arg18: memref<!tpu.dma_semaphore, #tpu.memory_space<semaphore_mem>>, %arg19: memref<!tpu.dma_semaphore, #tpu.memory_space<semaphore_mem>>, %arg20: memref<!tpu.dma_semaphore, #tpu.memory_space<semaphore_mem>>, %arg21: memref<!tpu.dma_semaphore, #tpu.memory_space<semaphore_mem>>, %arg22: memref<!tpu.dma_semaphore, #tpu.memory_space<semaphore_mem>>, %arg23: memref<!tpu.dma_semaphore, #tpu.memory_space<semaphore_mem>>, %arg24: memref<!tpu.dma_semaphore, #tpu.memory_space<semaphore_mem>>) attributes {dimension_semantics = [#tpu.dimension_semantics<core_parallel>, #tpu.dimension_semantics<subcore_parallel>], iteration_bounds = array<i64: 2, 16>, scalar_prefetch = 0 : i64, scratch_operands = 16 : i64, tpu.core_type = #tpu.core_type<sc_vector_subcore>, window_params = [{transform_indices = #map}, {transform_indices = #map}, {transform_indices = #map}, {transform_indices = #map}, {transform_indices = #map}, {transform_indices = #map1}, {transform_indices = #map1}]} {
    %mul3A = arith.constant 16 : i32
    %mul3A_0 = arith.muli %arg0, %mul3A : i32
    %add3A = arith.addi %mul3A_0, %arg1 : i32
    "tpu.region"() ({
      %run_scoped3A = tpu.sem_alloc : memref<!tpu.dma_semaphore, #tpu.memory_space<semaphore_mem>>
      tpu.enqueue_dma source(%arg6 : memref<80x16xf32, #tpu.memory_space<hbm>>) target(%arg14 : memref<80x16xf32, #tpu.memory_space<vmem>>) target_semaphore(%run_scoped3A : memref<!tpu.dma_semaphore, #tpu.memory_space<semaphore_mem>>)
      tpu.wait_dma2 semaphore(%run_scoped3A : memref<!tpu.dma_semaphore, #tpu.memory_space<semaphore_mem>>) src(%arg6 : memref<80x16xf32, #tpu.memory_space<hbm>>) dst(%arg14 : memref<80x16xf32, #tpu.memory_space<vmem>>)
      tpu.yield
    }) : () -> ()
    %add3A_1 = arith.constant 0 : i32
    %add3A_2 = arith.addi %arg1, %add3A_1 : i32
    %lt3A = arith.constant 25 : i32
    %lt3A_3 = arith.cmpi slt, %add3A_2, %lt3A : i32
    %convert_element_type3A = arith.extui %lt3A_3 : i1 to i32
    %cond3A = arith.constant 0 : i32
    %cond3A_4 = arith.cmpi ne, %convert_element_type3A, %cond3A : i32
    scf.if %cond3A_4 {
      %mul3A_504 = arith.constant 400 : i32
      %mul3A_505 = arith.muli %add3A_2, %mul3A_504 : i32
      "tpu.region"() ({
        %run_scoped3A = tpu.sem_alloc : memref<!tpu.dma_semaphore, #tpu.memory_space<semaphore_mem>>
        %dma_start3A_508 = arith.constant 0 : i32
        %dma_start3A_509 = tpu.memref_slice %arg9[%mul3A_505, %dma_start3A_508] : memref<10008x128xf32, #tpu.memory_space<vmem_shared>> -> memref<400x128xf32, #tpu.memory_space<vmem_shared>>
        tpu.enqueue_dma source(%arg4 : memref<400x128xf32, #tpu.memory_space<hbm>>) target(%dma_start3A_509 : memref<400x128xf32, #tpu.memory_space<vmem_shared>>) target_semaphore(%run_scoped3A : memref<!tpu.dma_semaphore, #tpu.memory_space<semaphore_mem>>)
        %dma_wait3A_510 = arith.constant 0 : i32
        %dma_wait3A_511 = tpu.memref_slice %arg9[%mul3A_505, %dma_wait3A_510] : memref<10008x128xf32, #tpu.memory_space<vmem_shared>> -> memref<400x128xf32, #tpu.memory_space<vmem_shared>>
        tpu.wait_dma2 semaphore(%run_scoped3A : memref<!tpu.dma_semaphore, #tpu.memory_space<semaphore_mem>>) src(%arg4 : memref<400x128xf32, #tpu.memory_space<hbm>>) dst(%dma_wait3A_511 : memref<400x128xf32, #tpu.memory_space<vmem_shared>>)
        tpu.yield
      }) : () -> ()
      %mul3A_506 = arith.constant 400 : i32
      %mul3A_507 = arith.muli %add3A_2, %mul3A_506 : i32
      "tpu.region"() ({
        %run_scoped3A = tpu.sem_alloc : memref<!tpu.dma_semaphore, #tpu.memory_space<semaphore_mem>>
        %dma_start3A_508 = arith.constant 0 : i32
        %dma_start3A_509 = tpu.memref_slice %arg10[%mul3A_507, %dma_start3A_508] : memref<10008x16xf32, #tpu.memory_space<vmem_shared>> -> memref<400x16xf32, #tpu.memory_space<vmem_shared>>
        tpu.enqueue_dma source(%arg5 : memref<400x16xf32, #tpu.memory_space<hbm>>) target(%dma_start3A_509 : memref<400x16xf32, #tpu.memory_space<vmem_shared>>) target_semaphore(%run_scoped3A : memref<!tpu.dma_semaphore, #tpu.memory_space<semaphore_mem>>)
        %dma_wait3A_510 = arith.constant 0 : i32
        %dma_wait3A_511 = tpu.memref_slice %arg10[%mul3A_507, %dma_wait3A_510] : memref<10008x16xf32, #tpu.memory_space<vmem_shared>> -> memref<400x16xf32, #tpu.memory_space<vmem_shared>>
        tpu.wait_dma2 semaphore(%run_scoped3A : memref<!tpu.dma_semaphore, #tpu.memory_space<semaphore_mem>>) src(%arg5 : memref<400x16xf32, #tpu.memory_space<hbm>>) dst(%dma_wait3A_511 : memref<400x16xf32, #tpu.memory_space<vmem_shared>>)
        tpu.yield
      }) : () -> ()
    } else {
    }
    %add3A_5 = arith.constant 16 : i32
    %add3A_6 = arith.addi %arg1, %add3A_5 : i32
    %lt3A_7 = arith.constant 25 : i32
    %lt3A_8 = arith.cmpi slt, %add3A_6, %lt3A_7 : i32
    %convert_element_type3A_9 = arith.extui %lt3A_8 : i1 to i32
    %cond3A_10 = arith.constant 0 : i32
    %cond3A_11 = arith.cmpi ne, %convert_element_type3A_9, %cond3A_10 : i32
    scf.if %cond3A_11 {
      %mul3A_504 = arith.constant 400 : i32
      %mul3A_505 = arith.muli %add3A_6, %mul3A_504 : i32
      "tpu.region"() ({
        %run_scoped3A = tpu.sem_alloc : memref<!tpu.dma_semaphore, #tpu.memory_space<semaphore_mem>>
        %dma_start3A_508 = arith.constant 0 : i32
        %dma_start3A_509 = tpu.memref_slice %arg9[%mul3A_505, %dma_start3A_508] : memref<10008x128xf32, #tpu.memory_space<vmem_shared>> -> memref<400x128xf32, #tpu.memory_space<vmem_shared>>
        tpu.enqueue_dma source(%arg4 : memref<400x128xf32, #tpu.memory_space<hbm>>) target(%dma_start3A_509 : memref<400x128xf32, #tpu.memory_space<vmem_shared>>) target_semaphore(%run_scoped3A : memref<!tpu.dma_semaphore, #tpu.memory_space<semaphore_mem>>)
        %dma_wait3A_510 = arith.constant 0 : i32
        %dma_wait3A_511 = tpu.memref_slice %arg9[%mul3A_505, %dma_wait3A_510] : memref<10008x128xf32, #tpu.memory_space<vmem_shared>> -> memref<400x128xf32, #tpu.memory_space<vmem_shared>>
        tpu.wait_dma2 semaphore(%run_scoped3A : memref<!tpu.dma_semaphore, #tpu.memory_space<semaphore_mem>>) src(%arg4 : memref<400x128xf32, #tpu.memory_space<hbm>>) dst(%dma_wait3A_511 : memref<400x128xf32, #tpu.memory_space<vmem_shared>>)
        tpu.yield
      }) : () -> ()
      %mul3A_506 = arith.constant 400 : i32
      %mul3A_507 = arith.muli %add3A_6, %mul3A_506 : i32
      "tpu.region"() ({
        %run_scoped3A = tpu.sem_alloc : memref<!tpu.dma_semaphore, #tpu.memory_space<semaphore_mem>>
        %dma_start3A_508 = arith.constant 0 : i32
        %dma_start3A_509 = tpu.memref_slice %arg10[%mul3A_507, %dma_start3A_508] : memref<10008x16xf32, #tpu.memory_space<vmem_shared>> -> memref<400x16xf32, #tpu.memory_space<vmem_shared>>
        tpu.enqueue_dma source(%arg5 : memref<400x16xf32, #tpu.memory_space<hbm>>) target(%dma_start3A_509 : memref<400x16xf32, #tpu.memory_space<vmem_shared>>) target_semaphore(%run_scoped3A : memref<!tpu.dma_semaphore, #tpu.memory_space<semaphore_mem>>)
        %dma_wait3A_510 = arith.constant 0 : i32
        %dma_wait3A_511 = tpu.memref_slice %arg10[%mul3A_507, %dma_wait3A_510] : memref<10008x16xf32, #tpu.memory_space<vmem_shared>> -> memref<400x16xf32, #tpu.memory_space<vmem_shared>>
        tpu.wait_dma2 semaphore(%run_scoped3A : memref<!tpu.dma_semaphore, #tpu.memory_space<semaphore_mem>>) src(%arg5 : memref<400x16xf32, #tpu.memory_space<hbm>>) dst(%dma_wait3A_511 : memref<400x16xf32, #tpu.memory_space<vmem_shared>>)
        tpu.yield
      }) : () -> ()
    } else {
    }
    %barrier3A = arith.constant 0 : index
    tpu.barrier barrier_id(%barrier3A)
    %mul3A_12 = arith.constant 10000 : i32
    %mul3A_13 = arith.muli %add3A, %mul3A_12 : i32
    %add3A_14 = arith.constant 0 : i32
    %add3A_15 = arith.addi %mul3A_13, %add3A_14 : i32
    %dma_start3A = arith.constant 0 : i32
    %dma_start3A_16 = arith.constant 0 : i32
    %dma_start3A_17 = arith.constant 0 : i32
    %dma_start3A_18 = tpu.memref_slice %arg11[%dma_start3A, %dma_start3A_16, %dma_start3A_17] : memref<3x2x80xi32, #tpu.memory_space<vmem>> -> memref<1x2x80xi32, #tpu.memory_space<vmem>>
    %dma_start3A_19 = tpu.memref_squeeze %dma_start3A_18 : memref<1x2x80xi32, #tpu.memory_space<vmem>> -> memref<2x80xi32, #tpu.memory_space<vmem>>
    %dma_start3A_20 = arith.constant 0 : i32
    %dma_start3A_21 = tpu.memref_slice %arg3[%dma_start3A_20, %add3A_15] : memref<2x320000xi32, #tpu.memory_space<hbm>> -> memref<2x80xi32, #tpu.memory_space<hbm>>
    %dma_start3A_22 = arith.constant 0 : i32
    %dma_start3A_23 = arith.constant 0 : i32
    %dma_start3A_24 = tpu.memref_slice %arg11[%dma_start3A, %dma_start3A_22, %dma_start3A_23] : memref<3x2x80xi32, #tpu.memory_space<vmem>> -> memref<1x2x80xi32, #tpu.memory_space<vmem>>
    %dma_start3A_25 = tpu.memref_squeeze %dma_start3A_24 : memref<1x2x80xi32, #tpu.memory_space<vmem>> -> memref<2x80xi32, #tpu.memory_space<vmem>>
    %dma_start3A_26 = arith.constant 0 : i32
    %dma_start3A_27 = tpu.memref_slice %arg3[%dma_start3A_26, %add3A_15] : memref<2x320000xi32, #tpu.memory_space<hbm>> -> memref<2x80xi32, #tpu.memory_space<hbm>>
    tpu.enqueue_dma source(%dma_start3A_27 : memref<2x80xi32, #tpu.memory_space<hbm>>) target(%dma_start3A_25 : memref<2x80xi32, #tpu.memory_space<vmem>>) target_semaphore(%arg15 : memref<!tpu.dma_semaphore, #tpu.memory_space<semaphore_mem>>)
    %scan3A = arith.constant 0 : i32
    %scan3A_28 = arith.constant 0 : i32
    %scan3A_29 = arith.constant 41 : i32
    %scan3A_30 = arith.addi %scan3A_28, %scan3A_29 : i32
    %scan3A_31 = arith.constant 1 : i32
    scf.for %scan3A_504 = %scan3A_28 to %scan3A_30 step %scan3A_31  : i32 {
      %mul3A_505 = arith.constant 3 : i32
      %mul3A_506 = arith.muli %mul3A_505, %scan3A_504 : i32
      %add3A_507 = arith.constant 0 : i32
      %add3A_508 = arith.addi %mul3A_506, %add3A_507 : i32
      %dma_wait3A_509 = arith.constant 0 : i32
      %dma_wait3A_510 = arith.constant 0 : i32
      %dma_wait3A_511 = arith.constant 0 : i32
      %dma_wait3A_512 = tpu.memref_slice %arg11[%dma_wait3A_509, %dma_wait3A_510, %dma_wait3A_511] : memref<3x2x80xi32, #tpu.memory_space<vmem>> -> memref<1x2x80xi32, #tpu.memory_space<vmem>>
      %dma_wait3A_513 = tpu.memref_squeeze %dma_wait3A_512 : memref<1x2x80xi32, #tpu.memory_space<vmem>> -> memref<2x80xi32, #tpu.memory_space<vmem>>
      %dma_wait3A_514 = arith.constant 0 : i32
      %dma_wait3A_515 = arith.constant 0 : i32
      %dma_wait3A_516 = tpu.memref_slice %arg3[%dma_wait3A_514, %dma_wait3A_515] : memref<2x320000xi32, #tpu.memory_space<hbm>> -> memref<2x80xi32, #tpu.memory_space<hbm>>
      %dma_wait3A_517 = arith.constant 0 : i32
      %dma_wait3A_518 = arith.constant 0 : i32
      %dma_wait3A_519 = tpu.memref_slice %arg11[%dma_wait3A_509, %dma_wait3A_517, %dma_wait3A_518] : memref<3x2x80xi32, #tpu.memory_space<vmem>> -> memref<1x2x80xi32, #tpu.memory_space<vmem>>
      %dma_wait3A_520 = tpu.memref_squeeze %dma_wait3A_519 : memref<1x2x80xi32, #tpu.memory_space<vmem>> -> memref<2x80xi32, #tpu.memory_space<vmem>>
      %dma_wait3A_521 = arith.constant 0 : i32
      %dma_wait3A_522 = arith.constant 0 : i32
      %dma_wait3A_523 = tpu.memref_slice %arg3[%dma_wait3A_521, %dma_wait3A_522] : memref<2x320000xi32, #tpu.memory_space<hbm>> -> memref<2x80xi32, #tpu.memory_space<hbm>>
      tpu.wait_dma2 semaphore(%arg15 : memref<!tpu.dma_semaphore, #tpu.memory_space<semaphore_mem>>) src(%dma_wait3A_523 : memref<2x80xi32, #tpu.memory_space<hbm>>) dst(%dma_wait3A_520 : memref<2x80xi32, #tpu.memory_space<vmem>>)
      %ge3A = arith.constant 3 : i32
      %ge3A_524 = arith.cmpi sge, %add3A_508, %ge3A : i32
      %convert_element_type3A_525 = arith.extui %ge3A_524 : i1 to i32
      %cond3A_526 = arith.constant 0 : i32
      %cond3A_527 = arith.cmpi ne, %convert_element_type3A_525, %cond3A_526 : i32
      scf.if %cond3A_527 {
        %dma_wait3A_645 = arith.constant 0 : i32
        %dma_wait3A_646 = arith.constant 0 : i32
        %dma_wait3A_647 = arith.constant 0 : i32
        %dma_wait3A_648 = arith.constant 0 : i32
        %dma_wait3A_649 = tpu.memref_slice %arg13[%dma_wait3A_645, %dma_wait3A_647, %dma_wait3A_648] : memref<3x80x128xf32, #tpu.memory_space<vmem>> -> memref<1x80x128xf32, #tpu.memory_space<vmem>>
        %dma_wait3A_650 = tpu.memref_squeeze %dma_wait3A_649 : memref<1x80x128xf32, #tpu.memory_space<vmem>> -> memref<80x128xf32, #tpu.memory_space<vmem>>
        %dma_wait3A_651 = arith.constant 0 : i32
        %dma_wait3A_652 = tpu.memref_slice %arg12[%dma_wait3A_646, %dma_wait3A_651] : memref<3x80xi32, #tpu.memory_space<vmem>> -> memref<1x80xi32, #tpu.memory_space<vmem>>
        %dma_wait3A_653 = tpu.memref_squeeze %dma_wait3A_652 : memref<1x80xi32, #tpu.memory_space<vmem>> -> memref<80xi32, #tpu.memory_space<vmem>>
        %dma_wait3A_654 = arith.constant 0 : i32
        %dma_wait3A_655 = arith.constant 0 : i32
        %dma_wait3A_656 = tpu.memref_slice %arg9[%dma_wait3A_654, %dma_wait3A_655] : memref<10008x128xf32, #tpu.memory_space<vmem_shared>> -> memref<10008x128xf32, #tpu.memory_space<vmem_shared>>
        tpu.wait_indirect_dma semaphore(%arg19 : memref<!tpu.dma_semaphore, #tpu.memory_space<semaphore_mem>>) src(%dma_wait3A_650 : memref<80x128xf32, #tpu.memory_space<vmem>>) dst(%dma_wait3A_656 : memref<10008x128xf32, #tpu.memory_space<vmem_shared>>)
        %dma_wait3A_657 = arith.constant 0 : i32
        %dma_wait3A_658 = arith.constant 0 : i32
        %dma_wait3A_659 = tpu.memref_slice %arg12[%dma_wait3A_657, %dma_wait3A_658] : memref<3x80xi32, #tpu.memory_space<vmem>> -> memref<1x80xi32, #tpu.memory_space<vmem>>
        %dma_wait3A_660 = tpu.memref_squeeze %dma_wait3A_659 : memref<1x80xi32, #tpu.memory_space<vmem>> -> memref<80xi32, #tpu.memory_space<vmem>>
        %dma_wait3A_661 = arith.constant 0 : i32
        %dma_wait3A_662 = arith.constant 0 : i32
        %dma_wait3A_663 = tpu.memref_slice %arg10[%dma_wait3A_661, %dma_wait3A_662] : memref<10008x16xf32, #tpu.memory_space<vmem_shared>> -> memref<10008x16xf32, #tpu.memory_space<vmem_shared>>
        tpu.wait_indirect_dma semaphore(%arg22 : memref<!tpu.dma_semaphore, #tpu.memory_space<semaphore_mem>>) src(%arg14 : memref<80x16xf32, #tpu.memory_space<vmem>>) dst(%dma_wait3A_663 : memref<10008x16xf32, #tpu.memory_space<vmem_shared>>)
      } else {
      }
      %dma_start3A_528 = arith.constant 0 : i32
      %dma_start3A_529 = arith.constant 0 : i32
      %dma_start3A_530 = arith.constant 0 : i32
      %dma_start3A_531 = arith.constant 0 : i32
      %dma_start3A_532 = arith.constant 0 : i32
      %dma_start3A_533 = tpu.memref_slice %arg13[%dma_start3A_530, %dma_start3A_531, %dma_start3A_532] : memref<3x80x128xf32, #tpu.memory_space<vmem>> -> memref<1x80x128xf32, #tpu.memory_space<vmem>>
      %dma_start3A_534 = tpu.memref_squeeze %dma_start3A_533 : memref<1x80x128xf32, #tpu.memory_space<vmem>> -> memref<80x128xf32, #tpu.memory_space<vmem>>
      %dma_start3A_535 = arith.constant 0 : i32
      %dma_start3A_536 = tpu.memref_slice %arg11[%dma_start3A_528, %dma_start3A_529, %dma_start3A_535] : memref<3x2x80xi32, #tpu.memory_space<vmem>> -> memref<1x1x80xi32, #tpu.memory_space<vmem>>
      %dma_start3A_537 = tpu.memref_squeeze %dma_start3A_536 : memref<1x1x80xi32, #tpu.memory_space<vmem>> -> memref<80xi32, #tpu.memory_space<vmem>>
      %dma_start3A_538 = arith.constant 0 : i32
      %dma_start3A_539 = arith.constant 0 : i32
      %dma_start3A_540 = tpu.memref_slice %arg2[%dma_start3A_538, %dma_start3A_539] : memref<10000x128xf32, #tpu.memory_space<hbm>> -> memref<10000x128xf32, #tpu.memory_space<hbm>>
      tpu.enqueue_indirect_dma source(%dma_start3A_540 : memref<10000x128xf32, #tpu.memory_space<hbm>>) target(%dma_start3A_534 : memref<80x128xf32, #tpu.memory_space<vmem>>) offsets(%dma_start3A_537 : memref<80xi32, #tpu.memory_space<vmem>>) semaphore(%arg16 : memref<!tpu.dma_semaphore, #tpu.memory_space<semaphore_mem>>)
      %lt3A_541 = arith.constant 124 : i32
      %lt3A_542 = arith.cmpi slt, %add3A_508, %lt3A_541 : i32
      %convert_element_type3A_543 = arith.extui %lt3A_542 : i1 to i32
      %cond3A_544 = arith.constant 0 : i32
      %cond3A_545 = arith.cmpi ne, %convert_element_type3A_543, %cond3A_544 : i32
      scf.if %cond3A_545 {
        %add3A_645 = arith.constant 1 : i32
        %add3A_646 = arith.addi %add3A_508, %add3A_645 : i32
        %mul3A_647 = arith.constant 10000 : i32
        %mul3A_648 = arith.muli %add3A, %mul3A_647 : i32
        %mul3A_649 = arith.constant 80 : i32
        %mul3A_650 = arith.muli %add3A_646, %mul3A_649 : i32
        %add3A_651 = arith.addi %mul3A_648, %mul3A_650 : i32
        %dma_start3A_652 = arith.constant 1 : i32
        %dma_start3A_653 = arith.constant 0 : i32
        %dma_start3A_654 = arith.constant 0 : i32
        %dma_start3A_655 = tpu.memref_slice %arg11[%dma_start3A_652, %dma_start3A_653, %dma_start3A_654] : memref<3x2x80xi32, #tpu.memory_space<vmem>> -> memref<1x2x80xi32, #tpu.memory_space<vmem>>
        %dma_start3A_656 = tpu.memref_squeeze %dma_start3A_655 : memref<1x2x80xi32, #tpu.memory_space<vmem>> -> memref<2x80xi32, #tpu.memory_space<vmem>>
        %dma_start3A_657 = arith.constant 0 : i32
        %dma_start3A_658 = tpu.memref_slice %arg3[%dma_start3A_657, %add3A_651] : memref<2x320000xi32, #tpu.memory_space<hbm>> -> memref<2x80xi32, #tpu.memory_space<hbm>>
        %dma_start3A_659 = arith.constant 0 : i32
        %dma_start3A_660 = arith.constant 0 : i32
        %dma_start3A_661 = tpu.memref_slice %arg11[%dma_start3A_652, %dma_start3A_659, %dma_start3A_660] : memref<3x2x80xi32, #tpu.memory_space<vmem>> -> memref<1x2x80xi32, #tpu.memory_space<vmem>>
        %dma_start3A_662 = tpu.memref_squeeze %dma_start3A_661 : memref<1x2x80xi32, #tpu.memory_space<vmem>> -> memref<2x80xi32, #tpu.memory_space<vmem>>
        %dma_start3A_663 = arith.constant 0 : i32
        %dma_start3A_664 = tpu.memref_slice %arg3[%dma_start3A_663, %add3A_651] : memref<2x320000xi32, #tpu.memory_space<hbm>> -> memref<2x80xi32, #tpu.memory_space<hbm>>
        tpu.enqueue_dma source(%dma_start3A_664 : memref<2x80xi32, #tpu.memory_space<hbm>>) target(%dma_start3A_662 : memref<2x80xi32, #tpu.memory_space<vmem>>) target_semaphore(%arg15 : memref<!tpu.dma_semaphore, #tpu.memory_space<semaphore_mem>>)
      } else {
      }
      %ge3A_546 = arith.constant 1 : i32
      %ge3A_547 = arith.cmpi sge, %add3A_508, %ge3A_546 : i32
      %convert_element_type3A_548 = arith.extui %ge3A_547 : i1 to i32
      %cond3A_549 = arith.constant 0 : i32
      %cond3A_550 = arith.cmpi ne, %convert_element_type3A_548, %cond3A_549 : i32
      scf.if %cond3A_550 {
        %dma_wait3A_645 = arith.constant 2 : i32
        %dma_wait3A_646 = arith.constant 0 : i32
        %dma_wait3A_647 = arith.constant 2 : i32
        %dma_wait3A_648 = arith.constant 0 : i32
        %dma_wait3A_649 = arith.constant 0 : i32
        %dma_wait3A_650 = tpu.memref_slice %arg13[%dma_wait3A_647, %dma_wait3A_648, %dma_wait3A_649] : memref<3x80x128xf32, #tpu.memory_space<vmem>> -> memref<1x80x128xf32, #tpu.memory_space<vmem>>
        %dma_wait3A_651 = tpu.memref_squeeze %dma_wait3A_650 : memref<1x80x128xf32, #tpu.memory_space<vmem>> -> memref<80x128xf32, #tpu.memory_space<vmem>>
        %dma_wait3A_652 = arith.constant 0 : i32
        %dma_wait3A_653 = tpu.memref_slice %arg11[%dma_wait3A_645, %dma_wait3A_646, %dma_wait3A_652] : memref<3x2x80xi32, #tpu.memory_space<vmem>> -> memref<1x1x80xi32, #tpu.memory_space<vmem>>
        %dma_wait3A_654 = tpu.memref_squeeze %dma_wait3A_653 : memref<1x1x80xi32, #tpu.memory_space<vmem>> -> memref<80xi32, #tpu.memory_space<vmem>>
        %dma_wait3A_655 = arith.constant 0 : i32
        %dma_wait3A_656 = arith.constant 0 : i32
        %dma_wait3A_657 = tpu.memref_slice %arg2[%dma_wait3A_655, %dma_wait3A_656] : memref<10000x128xf32, #tpu.memory_space<hbm>> -> memref<10000x128xf32, #tpu.memory_space<hbm>>
        tpu.wait_indirect_dma semaphore(%arg18 : memref<!tpu.dma_semaphore, #tpu.memory_space<semaphore_mem>>) src(%dma_wait3A_657 : memref<10000x128xf32, #tpu.memory_space<hbm>>) dst(%dma_wait3A_651 : memref<80x128xf32, #tpu.memory_space<vmem>>)
        %get3A_658 = arith.constant 2 : i32
        %get3A_659 = arith.constant 1 : i32
        %get3A_660 = arith.index_cast %get3A_658 : i32 to index
        %get3A_661 = arith.index_cast %get3A_659 : i32 to index
        %get3A_662 = arith.constant 0 : index
        %get3A_663 = tpu.vector_load %arg11[%get3A_660, %get3A_661, %get3A_662] {strides = array<i32>} : memref<3x2x80xi32, #tpu.memory_space<vmem>>, vector<1x1x16xi32>,
        %get3A_664 = vector.shape_cast %get3A_663 : vector<1x1x16xi32> to vector<16xi32>
        %swap3A_665 = arith.constant 2 : i32
        %swap3A_666 = arith.index_cast %swap3A_665 : i32 to index
        %swap3A_667 = arith.constant 0 : index
        %swap3A_668 = tpu.vector_load %arg12[%swap3A_666, %swap3A_667] {strides = array<i32>} : memref<3x80xi32, #tpu.memory_space<vmem>>, vector<1x16xi32>,
        %swap3A_669 = vector.shape_cast %swap3A_668 : vector<1x16xi32> to vector<16xi32>
        %swap3A_670 = vector.shape_cast %get3A_664 : vector<16xi32> to vector<1x16xi32>
        tpu.vector_store %arg12[%swap3A_666, %swap3A_667], %swap3A_670 {strides = array<i32>} : memref<3x80xi32, #tpu.memory_space<vmem>>, vector<1x16xi32>,
        %get3A_671 = arith.constant 2 : i32
        %get3A_672 = arith.constant 1 : i32
        %get3A_673 = arith.index_cast %get3A_671 : i32 to index
        %get3A_674 = arith.index_cast %get3A_672 : i32 to index
        %get3A_675 = arith.constant 16 : index
        %get3A_676 = tpu.vector_load %arg11[%get3A_673, %get3A_674, %get3A_675] {strides = array<i32>} : memref<3x2x80xi32, #tpu.memory_space<vmem>>, vector<1x1x16xi32>,
        %get3A_677 = vector.shape_cast %get3A_676 : vector<1x1x16xi32> to vector<16xi32>
        %swap3A_678 = arith.constant 2 : i32
        %swap3A_679 = arith.index_cast %swap3A_678 : i32 to index
        %swap3A_680 = arith.constant 16 : index
        %swap3A_681 = tpu.vector_load %arg12[%swap3A_679, %swap3A_680] {strides = array<i32>} : memref<3x80xi32, #tpu.memory_space<vmem>>, vector<1x16xi32>,
        %swap3A_682 = vector.shape_cast %swap3A_681 : vector<1x16xi32> to vector<16xi32>
        %swap3A_683 = vector.shape_cast %get3A_677 : vector<16xi32> to vector<1x16xi32>
        tpu.vector_store %arg12[%swap3A_679, %swap3A_680], %swap3A_683 {strides = array<i32>} : memref<3x80xi32, #tpu.memory_space<vmem>>, vector<1x16xi32>,
        %get3A_684 = arith.constant 2 : i32
        %get3A_685 = arith.constant 1 : i32
        %get3A_686 = arith.index_cast %get3A_684 : i32 to index
        %get3A_687 = arith.index_cast %get3A_685 : i32 to index
        %get3A_688 = arith.constant 32 : index
        %get3A_689 = tpu.vector_load %arg11[%get3A_686, %get3A_687, %get3A_688] {strides = array<i32>} : memref<3x2x80xi32, #tpu.memory_space<vmem>>, vector<1x1x16xi32>,
        %get3A_690 = vector.shape_cast %get3A_689 : vector<1x1x16xi32> to vector<16xi32>
        %swap3A_691 = arith.constant 2 : i32
        %swap3A_692 = arith.index_cast %swap3A_691 : i32 to index
        %swap3A_693 = arith.constant 32 : index
        %swap3A_694 = tpu.vector_load %arg12[%swap3A_692, %swap3A_693] {strides = array<i32>} : memref<3x80xi32, #tpu.memory_space<vmem>>, vector<1x16xi32>,
        %swap3A_695 = vector.shape_cast %swap3A_694 : vector<1x16xi32> to vector<16xi32>
        %swap3A_696 = vector.shape_cast %get3A_690 : vector<16xi32> to vector<1x16xi32>
        tpu.vector_store %arg12[%swap3A_692, %swap3A_693], %swap3A_696 {strides = array<i32>} : memref<3x80xi32, #tpu.memory_space<vmem>>, vector<1x16xi32>,
        %get3A_697 = arith.constant 2 : i32
        %get3A_698 = arith.constant 1 : i32
        %get3A_699 = arith.index_cast %get3A_697 : i32 to index
        %get3A_700 = arith.index_cast %get3A_698 : i32 to index
        %get3A_701 = arith.constant 48 : index
        %get3A_702 = tpu.vector_load %arg11[%get3A_699, %get3A_700, %get3A_701] {strides = array<i32>} : memref<3x2x80xi32, #tpu.memory_space<vmem>>, vector<1x1x16xi32>,
        %get3A_703 = vector.shape_cast %get3A_702 : vector<1x1x16xi32> to vector<16xi32>
        %swap3A_704 = arith.constant 2 : i32
        %swap3A_705 = arith.index_cast %swap3A_704 : i32 to index
        %swap3A_706 = arith.constant 48 : index
        %swap3A_707 = tpu.vector_load %arg12[%swap3A_705, %swap3A_706] {strides = array<i32>} : memref<3x80xi32, #tpu.memory_space<vmem>>, vector<1x16xi32>,
        %swap3A_708 = vector.shape_cast %swap3A_707 : vector<1x16xi32> to vector<16xi32>
        %swap3A_709 = vector.shape_cast %get3A_703 : vector<16xi32> to vector<1x16xi32>
        tpu.vector_store %arg12[%swap3A_705, %swap3A_706], %swap3A_709 {strides = array<i32>} : memref<3x80xi32, #tpu.memory_space<vmem>>, vector<1x16xi32>,
        %get3A_710 = arith.constant 2 : i32
        %get3A_711 = arith.constant 1 : i32
        %get3A_712 = arith.index_cast %get3A_710 : i32 to index
        %get3A_713 = arith.index_cast %get3A_711 : i32 to index
        %get3A_714 = arith.constant 64 : index
        %get3A_715 = tpu.vector_load %arg11[%get3A_712, %get3A_713, %get3A_714] {strides = array<i32>} : memref<3x2x80xi32, #tpu.memory_space<vmem>>, vector<1x1x16xi32>,
        %get3A_716 = vector.shape_cast %get3A_715 : vector<1x1x16xi32> to vector<16xi32>
        %swap3A_717 = arith.constant 2 : i32
        %swap3A_718 = arith.index_cast %swap3A_717 : i32 to index
        %swap3A_719 = arith.constant 64 : index
        %swap3A_720 = tpu.vector_load %arg12[%swap3A_718, %swap3A_719] {strides = array<i32>} : memref<3x80xi32, #tpu.memory_space<vmem>>, vector<1x16xi32>,
        %swap3A_721 = vector.shape_cast %swap3A_720 : vector<1x16xi32> to vector<16xi32>
        %swap3A_722 = vector.shape_cast %get3A_716 : vector<16xi32> to vector<1x16xi32>
        tpu.vector_store %arg12[%swap3A_718, %swap3A_719], %swap3A_722 {strides = array<i32>} : memref<3x80xi32, #tpu.memory_space<vmem>>, vector<1x16xi32>,
        %dma_start3A_723 = arith.constant 2 : i32
        %dma_start3A_724 = arith.constant 2 : i32
        %dma_start3A_725 = arith.constant 0 : i32
        %dma_start3A_726 = arith.constant 0 : i32
        %dma_start3A_727 = tpu.memref_slice %arg13[%dma_start3A_723, %dma_start3A_725, %dma_start3A_726] : memref<3x80x128xf32, #tpu.memory_space<vmem>> -> memref<1x80x128xf32, #tpu.memory_space<vmem>>
        %dma_start3A_728 = tpu.memref_squeeze %dma_start3A_727 : memref<1x80x128xf32, #tpu.memory_space<vmem>> -> memref<80x128xf32, #tpu.memory_space<vmem>>
        %dma_start3A_729 = arith.constant 0 : i32
        %dma_start3A_730 = tpu.memref_slice %arg12[%dma_start3A_724, %dma_start3A_729] : memref<3x80xi32, #tpu.memory_space<vmem>> -> memref<1x80xi32, #tpu.memory_space<vmem>>
        %dma_start3A_731 = tpu.memref_squeeze %dma_start3A_730 : memref<1x80xi32, #tpu.memory_space<vmem>> -> memref<80xi32, #tpu.memory_space<vmem>>
        %dma_start3A_732 = arith.constant 0 : i32
        %dma_start3A_733 = arith.constant 0 : i32
        %dma_start3A_734 = tpu.memref_slice %arg9[%dma_start3A_732, %dma_start3A_733] : memref<10008x128xf32, #tpu.memory_space<vmem_shared>> -> memref<10008x128xf32, #tpu.memory_space<vmem_shared>>
        tpu.enqueue_indirect_dma source(%dma_start3A_728 : memref<80x128xf32, #tpu.memory_space<vmem>>) target(%dma_start3A_734 : memref<10008x128xf32, #tpu.memory_space<vmem_shared>>) offsets(%dma_start3A_731 : memref<80xi32, #tpu.memory_space<vmem>>) semaphore(%arg21 : memref<!tpu.dma_semaphore, #tpu.memory_space<semaphore_mem>>) {add = true}
        %dma_start3A_735 = arith.constant 2 : i32
        %dma_start3A_736 = arith.constant 0 : i32
        %dma_start3A_737 = tpu.memref_slice %arg12[%dma_start3A_735, %dma_start3A_736] : memref<3x80xi32, #tpu.memory_space<vmem>> -> memref<1x80xi32, #tpu.memory_space<vmem>>
        %dma_start3A_738 = tpu.memref_squeeze %dma_start3A_737 : memref<1x80xi32, #tpu.memory_space<vmem>> -> memref<80xi32, #tpu.memory_space<vmem>>
        %dma_start3A_739 = arith.constant 0 : i32
        %dma_start3A_740 = arith.constant 0 : i32
        %dma_start3A_741 = tpu.memref_slice %arg10[%dma_start3A_739, %dma_start3A_740] : memref<10008x16xf32, #tpu.memory_space<vmem_shared>> -> memref<10008x16xf32, #tpu.memory_space<vmem_shared>>
        tpu.enqueue_indirect_dma source(%arg14 : memref<80x16xf32, #tpu.memory_space<vmem>>) target(%dma_start3A_741 : memref<10008x16xf32, #tpu.memory_space<vmem_shared>>) offsets(%dma_start3A_738 : memref<80xi32, #tpu.memory_space<vmem>>) semaphore(%arg24 : memref<!tpu.dma_semaphore, #tpu.memory_space<semaphore_mem>>) {add = true}
      } else {
      }
      %mul3A_551 = arith.constant 3 : i32
      %mul3A_552 = arith.muli %mul3A_551, %scan3A_504 : i32
      %add3A_553 = arith.constant 1 : i32
      %add3A_554 = arith.addi %mul3A_552, %add3A_553 : i32
      %dma_wait3A_555 = arith.constant 1 : i32
      %dma_wait3A_556 = arith.constant 0 : i32
      %dma_wait3A_557 = arith.constant 0 : i32
      %dma_wait3A_558 = tpu.memref_slice %arg11[%dma_wait3A_555, %dma_wait3A_556, %dma_wait3A_557] : memref<3x2x80xi32, #tpu.memory_space<vmem>> -> memref<1x2x80xi32, #tpu.memory_space<vmem>>
      %dma_wait3A_559 = tpu.memref_squeeze %dma_wait3A_558 : memref<1x2x80xi32, #tpu.memory_space<vmem>> -> memref<2x80xi32, #tpu.memory_space<vmem>>
      %dma_wait3A_560 = arith.constant 0 : i32
      %dma_wait3A_561 = arith.constant 0 : i32
      %dma_wait3A_562 = tpu.memref_slice %arg3[%dma_wait3A_560, %dma_wait3A_561] : memref<2x320000xi32, #tpu.memory_space<hbm>> -> memref<2x80xi32, #tpu.memory_space<hbm>>
      %dma_wait3A_563 = arith.constant 0 : i32
      %dma_wait3A_564 = arith.constant 0 : i32
      %dma_wait3A_565 = tpu.memref_slice %arg11[%dma_wait3A_555, %dma_wait3A_563, %dma_wait3A_564] : memref<3x2x80xi32, #tpu.memory_space<vmem>> -> memref<1x2x80xi32, #tpu.memory_space<vmem>>
      %dma_wait3A_566 = tpu.memref_squeeze %dma_wait3A_565 : memref<1x2x80xi32, #tpu.memory_space<vmem>> -> memref<2x80xi32, #tpu.memory_space<vmem>>
      %dma_wait3A_567 = arith.constant 0 : i32
      %dma_wait3A_568 = arith.constant 0 : i32
      %dma_wait3A_569 = tpu.memref_slice %arg3[%dma_wait3A_567, %dma_wait3A_568] : memref<2x320000xi32, #tpu.memory_space<hbm>> -> memref<2x80xi32, #tpu.memory_space<hbm>>
      tpu.wait_dma2 semaphore(%arg15 : memref<!tpu.dma_semaphore, #tpu.memory_space<semaphore_mem>>) src(%dma_wait3A_569 : memref<2x80xi32, #tpu.memory_space<hbm>>) dst(%dma_wait3A_566 : memref<2x80xi32, #tpu.memory_space<vmem>>)
      %ge3A_570 = arith.constant 3 : i32
      %ge3A_571 = arith.cmpi sge, %add3A_554, %ge3A_570 : i32
      %convert_element_type3A_572 = arith.extui %ge3A_571 : i1 to i32
      %cond3A_573 = arith.constant 0 : i32
      %cond3A_574 = arith.cmpi ne, %convert_element_type3A_572, %cond3A_573 : i32
      scf.if %cond3A_574 {
        %dma_wait3A_645 = arith.constant 1 : i32
        %dma_wait3A_646 = arith.constant 1 : i32
        %dma_wait3A_647 = arith.constant 0 : i32
        %dma_wait3A_648 = arith.constant 0 : i32
        %dma_wait3A_649 = tpu.memref_slice %arg13[%dma_wait3A_645, %dma_wait3A_647, %dma_wait3A_648] : memref<3x80x128xf32, #tpu.memory_space<vmem>> -> memref<1x80x128xf32, #tpu.memory_space<vmem>>
        %dma_wait3A_650 = tpu.memref_squeeze %dma_wait3A_649 : memref<1x80x128xf32, #tpu.memory_space<vmem>> -> memref<80x128xf32, #tpu.memory_space<vmem>>
        %dma_wait3A_651 = arith.constant 0 : i32
        %dma_wait3A_652 = tpu.memref_slice %arg12[%dma_wait3A_646, %dma_wait3A_651] : memref<3x80xi32, #tpu.memory_space<vmem>> -> memref<1x80xi32, #tpu.memory_space<vmem>>
        %dma_wait3A_653 = tpu.memref_squeeze %dma_wait3A_652 : memref<1x80xi32, #tpu.memory_space<vmem>> -> memref<80xi32, #tpu.memory_space<vmem>>
        %dma_wait3A_654 = arith.constant 0 : i32
        %dma_wait3A_655 = arith.constant 0 : i32
        %dma_wait3A_656 = tpu.memref_slice %arg9[%dma_wait3A_654, %dma_wait3A_655] : memref<10008x128xf32, #tpu.memory_space<vmem_shared>> -> memref<10008x128xf32, #tpu.memory_space<vmem_shared>>
        tpu.wait_indirect_dma semaphore(%arg20 : memref<!tpu.dma_semaphore, #tpu.memory_space<semaphore_mem>>) src(%dma_wait3A_650 : memref<80x128xf32, #tpu.memory_space<vmem>>) dst(%dma_wait3A_656 : memref<10008x128xf32, #tpu.memory_space<vmem_shared>>)
        %dma_wait3A_657 = arith.constant 1 : i32
        %dma_wait3A_658 = arith.constant 0 : i32
        %dma_wait3A_659 = tpu.memref_slice %arg12[%dma_wait3A_657, %dma_wait3A_658] : memref<3x80xi32, #tpu.memory_space<vmem>> -> memref<1x80xi32, #tpu.memory_space<vmem>>
        %dma_wait3A_660 = tpu.memref_squeeze %dma_wait3A_659 : memref<1x80xi32, #tpu.memory_space<vmem>> -> memref<80xi32, #tpu.memory_space<vmem>>
        %dma_wait3A_661 = arith.constant 0 : i32
        %dma_wait3A_662 = arith.constant 0 : i32
        %dma_wait3A_663 = tpu.memref_slice %arg10[%dma_wait3A_661, %dma_wait3A_662] : memref<10008x16xf32, #tpu.memory_space<vmem_shared>> -> memref<10008x16xf32, #tpu.memory_space<vmem_shared>>
        tpu.wait_indirect_dma semaphore(%arg23 : memref<!tpu.dma_semaphore, #tpu.memory_space<semaphore_mem>>) src(%arg14 : memref<80x16xf32, #tpu.memory_space<vmem>>) dst(%dma_wait3A_663 : memref<10008x16xf32, #tpu.memory_space<vmem_shared>>)
      } else {
      }
      %dma_start3A_575 = arith.constant 1 : i32
      %dma_start3A_576 = arith.constant 0 : i32
      %dma_start3A_577 = arith.constant 1 : i32
      %dma_start3A_578 = arith.constant 0 : i32
      %dma_start3A_579 = arith.constant 0 : i32
      %dma_start3A_580 = tpu.memref_slice %arg13[%dma_start3A_577, %dma_start3A_578, %dma_start3A_579] : memref<3x80x128xf32, #tpu.memory_space<vmem>> -> memref<1x80x128xf32, #tpu.memory_space<vmem>>
      %dma_start3A_581 = tpu.memref_squeeze %dma_start3A_580 : memref<1x80x128xf32, #tpu.memory_space<vmem>> -> memref<80x128xf32, #tpu.memory_space<vmem>>
      %dma_start3A_582 = arith.constant 0 : i32
      %dma_start3A_583 = tpu.memref_slice %arg11[%dma_start3A_575, %dma_start3A_576, %dma_start3A_582] : memref<3x2x80xi32, #tpu.memory_space<vmem>> -> memref<1x1x80xi32, #tpu.memory_space<vmem>>
      %dma_start3A_584 = tpu.memref_squeeze %dma_start3A_583 : memref<1x1x80xi32, #tpu.memory_space<vmem>> -> memref<80xi32, #tpu.memory_space<vmem>>
      %dma_start3A_585 = arith.constant 0 : i32
      %dma_start3A_586 = arith.constant 0 : i32
      %dma_start3A_587 = tpu.memref_slice %arg2[%dma_start3A_585, %dma_start3A_586] : memref<10000x128xf32, #tpu.memory_space<hbm>> -> memref<10000x128xf32, #tpu.memory_space<hbm>>
      tpu.enqueue_indirect_dma source(%dma_start3A_587 : memref<10000x128xf32, #tpu.memory_space<hbm>>) target(%dma_start3A_581 : memref<80x128xf32, #tpu.memory_space<vmem>>) offsets(%dma_start3A_584 : memref<80xi32, #tpu.memory_space<vmem>>) semaphore(%arg17 : memref<!tpu.dma_semaphore, #tpu.memory_space<semaphore_mem>>)
      %lt3A_588 = arith.constant 124 : i32
      %lt3A_589 = arith.cmpi slt, %add3A_554, %lt3A_588 : i32
      %convert_element_type3A_590 = arith.extui %lt3A_589 : i1 to i32
      %cond3A_591 = arith.constant 0 : i32
      %cond3A_592 = arith.cmpi ne, %convert_element_type3A_590, %cond3A_591 : i32
      scf.if %cond3A_592 {
        %add3A_645 = arith.constant 1 : i32
        %add3A_646 = arith.addi %add3A_554, %add3A_645 : i32
        %mul3A_647 = arith.constant 10000 : i32
        %mul3A_648 = arith.muli %add3A, %mul3A_647 : i32
        %mul3A_649 = arith.constant 80 : i32
        %mul3A_650 = arith.muli %add3A_646, %mul3A_649 : i32
        %add3A_651 = arith.addi %mul3A_648, %mul3A_650 : i32
        %dma_start3A_652 = arith.constant 2 : i32
        %dma_start3A_653 = arith.constant 0 : i32
        %dma_start3A_654 = arith.constant 0 : i32
        %dma_start3A_655 = tpu.memref_slice %arg11[%dma_start3A_652, %dma_start3A_653, %dma_start3A_654] : memref<3x2x80xi32, #tpu.memory_space<vmem>> -> memref<1x2x80xi32, #tpu.memory_space<vmem>>
        %dma_start3A_656 = tpu.memref_squeeze %dma_start3A_655 : memref<1x2x80xi32, #tpu.memory_space<vmem>> -> memref<2x80xi32, #tpu.memory_space<vmem>>
        %dma_start3A_657 = arith.constant 0 : i32
        %dma_start3A_658 = tpu.memref_slice %arg3[%dma_start3A_657, %add3A_651] : memref<2x320000xi32, #tpu.memory_space<hbm>> -> memref<2x80xi32, #tpu.memory_space<hbm>>
        %dma_start3A_659 = arith.constant 0 : i32
        %dma_start3A_660 = arith.constant 0 : i32
        %dma_start3A_661 = tpu.memref_slice %arg11[%dma_start3A_652, %dma_start3A_659, %dma_start3A_660] : memref<3x2x80xi32, #tpu.memory_space<vmem>> -> memref<1x2x80xi32, #tpu.memory_space<vmem>>
        %dma_start3A_662 = tpu.memref_squeeze %dma_start3A_661 : memref<1x2x80xi32, #tpu.memory_space<vmem>> -> memref<2x80xi32, #tpu.memory_space<vmem>>
        %dma_start3A_663 = arith.constant 0 : i32
        %dma_start3A_664 = tpu.memref_slice %arg3[%dma_start3A_663, %add3A_651] : memref<2x320000xi32, #tpu.memory_space<hbm>> -> memref<2x80xi32, #tpu.memory_space<hbm>>
        tpu.enqueue_dma source(%dma_start3A_664 : memref<2x80xi32, #tpu.memory_space<hbm>>) target(%dma_start3A_662 : memref<2x80xi32, #tpu.memory_space<vmem>>) target_semaphore(%arg15 : memref<!tpu.dma_semaphore, #tpu.memory_space<semaphore_mem>>)
      } else {
      }
      %ge3A_593 = arith.constant 1 : i32
      %ge3A_594 = arith.cmpi sge, %add3A_554, %ge3A_593 : i32
      %convert_element_type3A_595 = arith.extui %ge3A_594 : i1 to i32
      %cond3A_596 = arith.constant 0 : i32
      %cond3A_597 = arith.cmpi ne, %convert_element_type3A_595, %cond3A_596 : i32
      scf.if %cond3A_597 {
        %dma_wait3A_645 = arith.constant 0 : i32
        %dma_wait3A_646 = arith.constant 0 : i32
        %dma_wait3A_647 = arith.constant 0 : i32
        %dma_wait3A_648 = arith.constant 0 : i32
        %dma_wait3A_649 = arith.constant 0 : i32
        %dma_wait3A_650 = tpu.memref_slice %arg13[%dma_wait3A_647, %dma_wait3A_648, %dma_wait3A_649] : memref<3x80x128xf32, #tpu.memory_space<vmem>> -> memref<1x80x128xf32, #tpu.memory_space<vmem>>
        %dma_wait3A_651 = tpu.memref_squeeze %dma_wait3A_650 : memref<1x80x128xf32, #tpu.memory_space<vmem>> -> memref<80x128xf32, #tpu.memory_space<vmem>>
        %dma_wait3A_652 = arith.constant 0 : i32
        %dma_wait3A_653 = tpu.memref_slice %arg11[%dma_wait3A_645, %dma_wait3A_646, %dma_wait3A_652] : memref<3x2x80xi32, #tpu.memory_space<vmem>> -> memref<1x1x80xi32, #tpu.memory_space<vmem>>
        %dma_wait3A_654 = tpu.memref_squeeze %dma_wait3A_653 : memref<1x1x80xi32, #tpu.memory_space<vmem>> -> memref<80xi32, #tpu.memory_space<vmem>>
        %dma_wait3A_655 = arith.constant 0 : i32
        %dma_wait3A_656 = arith.constant 0 : i32
        %dma_wait3A_657 = tpu.memref_slice %arg2[%dma_wait3A_655, %dma_wait3A_656] : memref<10000x128xf32, #tpu.memory_space<hbm>> -> memref<10000x128xf32, #tpu.memory_space<hbm>>
        tpu.wait_indirect_dma semaphore(%arg16 : memref<!tpu.dma_semaphore, #tpu.memory_space<semaphore_mem>>) src(%dma_wait3A_657 : memref<10000x128xf32, #tpu.memory_space<hbm>>) dst(%dma_wait3A_651 : memref<80x128xf32, #tpu.memory_space<vmem>>)
        %get3A_658 = arith.constant 0 : i32
        %get3A_659 = arith.constant 1 : i32
        %get3A_660 = arith.index_cast %get3A_658 : i32 to index
        %get3A_661 = arith.index_cast %get3A_659 : i32 to index
        %get3A_662 = arith.constant 0 : index
        %get3A_663 = tpu.vector_load %arg11[%get3A_660, %get3A_661, %get3A_662] {strides = array<i32>} : memref<3x2x80xi32, #tpu.memory_space<vmem>>, vector<1x1x16xi32>,
        %get3A_664 = vector.shape_cast %get3A_663 : vector<1x1x16xi32> to vector<16xi32>
        %swap3A_665 = arith.constant 0 : i32
        %swap3A_666 = arith.index_cast %swap3A_665 : i32 to index
        %swap3A_667 = arith.constant 0 : index
        %swap3A_668 = tpu.vector_load %arg12[%swap3A_666, %swap3A_667] {strides = array<i32>} : memref<3x80xi32, #tpu.memory_space<vmem>>, vector<1x16xi32>,
        %swap3A_669 = vector.shape_cast %swap3A_668 : vector<1x16xi32> to vector<16xi32>
        %swap3A_670 = vector.shape_cast %get3A_664 : vector<16xi32> to vector<1x16xi32>
        tpu.vector_store %arg12[%swap3A_666, %swap3A_667], %swap3A_670 {strides = array<i32>} : memref<3x80xi32, #tpu.memory_space<vmem>>, vector<1x16xi32>,
        %get3A_671 = arith.constant 0 : i32
        %get3A_672 = arith.constant 1 : i32
        %get3A_673 = arith.index_cast %get3A_671 : i32 to index
        %get3A_674 = arith.index_cast %get3A_672 : i32 to index
        %get3A_675 = arith.constant 16 : index
        %get3A_676 = tpu.vector_load %arg11[%get3A_673, %get3A_674, %get3A_675] {strides = array<i32>} : memref<3x2x80xi32, #tpu.memory_space<vmem>>, vector<1x1x16xi32>,
        %get3A_677 = vector.shape_cast %get3A_676 : vector<1x1x16xi32> to vector<16xi32>
        %swap3A_678 = arith.constant 0 : i32
        %swap3A_679 = arith.index_cast %swap3A_678 : i32 to index
        %swap3A_680 = arith.constant 16 : index
        %swap3A_681 = tpu.vector_load %arg12[%swap3A_679, %swap3A_680] {strides = array<i32>} : memref<3x80xi32, #tpu.memory_space<vmem>>, vector<1x16xi32>,
        %swap3A_682 = vector.shape_cast %swap3A_681 : vector<1x16xi32> to vector<16xi32>
        %swap3A_683 = vector.shape_cast %get3A_677 : vector<16xi32> to vector<1x16xi32>
        tpu.vector_store %arg12[%swap3A_679, %swap3A_680], %swap3A_683 {strides = array<i32>} : memref<3x80xi32, #tpu.memory_space<vmem>>, vector<1x16xi32>,
        %get3A_684 = arith.constant 0 : i32
        %get3A_685 = arith.constant 1 : i32
        %get3A_686 = arith.index_cast %get3A_684 : i32 to index
        %get3A_687 = arith.index_cast %get3A_685 : i32 to index
        %get3A_688 = arith.constant 32 : index
        %get3A_689 = tpu.vector_load %arg11[%get3A_686, %get3A_687, %get3A_688] {strides = array<i32>} : memref<3x2x80xi32, #tpu.memory_space<vmem>>, vector<1x1x16xi32>,
        %get3A_690 = vector.shape_cast %get3A_689 : vector<1x1x16xi32> to vector<16xi32>
        %swap3A_691 = arith.constant 0 : i32
        %swap3A_692 = arith.index_cast %swap3A_691 : i32 to index
        %swap3A_693 = arith.constant 32 : index
        %swap3A_694 = tpu.vector_load %arg12[%swap3A_692, %swap3A_693] {strides = array<i32>} : memref<3x80xi32, #tpu.memory_space<vmem>>, vector<1x16xi32>,
        %swap3A_695 = vector.shape_cast %swap3A_694 : vector<1x16xi32> to vector<16xi32>
        %swap3A_696 = vector.shape_cast %get3A_690 : vector<16xi32> to vector<1x16xi32>
        tpu.vector_store %arg12[%swap3A_692, %swap3A_693], %swap3A_696 {strides = array<i32>} : memref<3x80xi32, #tpu.memory_space<vmem>>, vector<1x16xi32>,
        %get3A_697 = arith.constant 0 : i32
        %get3A_698 = arith.constant 1 : i32
        %get3A_699 = arith.index_cast %get3A_697 : i32 to index
        %get3A_700 = arith.index_cast %get3A_698 : i32 to index
        %get3A_701 = arith.constant 48 : index
        %get3A_702 = tpu.vector_load %arg11[%get3A_699, %get3A_700, %get3A_701] {strides = array<i32>} : memref<3x2x80xi32, #tpu.memory_space<vmem>>, vector<1x1x16xi32>,
        %get3A_703 = vector.shape_cast %get3A_702 : vector<1x1x16xi32> to vector<16xi32>
        %swap3A_704 = arith.constant 0 : i32
        %swap3A_705 = arith.index_cast %swap3A_704 : i32 to index
        %swap3A_706 = arith.constant 48 : index
        %swap3A_707 = tpu.vector_load %arg12[%swap3A_705, %swap3A_706] {strides = array<i32>} : memref<3x80xi32, #tpu.memory_space<vmem>>, vector<1x16xi32>,
        %swap3A_708 = vector.shape_cast %swap3A_707 : vector<1x16xi32> to vector<16xi32>
        %swap3A_709 = vector.shape_cast %get3A_703 : vector<16xi32> to vector<1x16xi32>
        tpu.vector_store %arg12[%swap3A_705, %swap3A_706], %swap3A_709 {strides = array<i32>} : memref<3x80xi32, #tpu.memory_space<vmem>>, vector<1x16xi32>,
        %get3A_710 = arith.constant 0 : i32
        %get3A_711 = arith.constant 1 : i32
        %get3A_712 = arith.index_cast %get3A_710 : i32 to index
        %get3A_713 = arith.index_cast %get3A_711 : i32 to index
        %get3A_714 = arith.constant 64 : index
        %get3A_715 = tpu.vector_load %arg11[%get3A_712, %get3A_713, %get3A_714] {strides = array<i32>} : memref<3x2x80xi32, #tpu.memory_space<vmem>>, vector<1x1x16xi32>,
        %get3A_716 = vector.shape_cast %get3A_715 : vector<1x1x16xi32> to vector<16xi32>
        %swap3A_717 = arith.constant 0 : i32
        %swap3A_718 = arith.index_cast %swap3A_717 : i32 to index
        %swap3A_719 = arith.constant 64 : index
        %swap3A_720 = tpu.vector_load %arg12[%swap3A_718, %swap3A_719] {strides = array<i32>} : memref<3x80xi32, #tpu.memory_space<vmem>>, vector<1x16xi32>,
        %swap3A_721 = vector.shape_cast %swap3A_720 : vector<1x16xi32> to vector<16xi32>
        %swap3A_722 = vector.shape_cast %get3A_716 : vector<16xi32> to vector<1x16xi32>
        tpu.vector_store %arg12[%swap3A_718, %swap3A_719], %swap3A_722 {strides = array<i32>} : memref<3x80xi32, #tpu.memory_space<vmem>>, vector<1x16xi32>,
        %dma_start3A_723 = arith.constant 0 : i32
        %dma_start3A_724 = arith.constant 0 : i32
        %dma_start3A_725 = arith.constant 0 : i32
        %dma_start3A_726 = arith.constant 0 : i32
        %dma_start3A_727 = tpu.memref_slice %arg13[%dma_start3A_723, %dma_start3A_725, %dma_start3A_726] : memref<3x80x128xf32, #tpu.memory_space<vmem>> -> memref<1x80x128xf32, #tpu.memory_space<vmem>>
        %dma_start3A_728 = tpu.memref_squeeze %dma_start3A_727 : memref<1x80x128xf32, #tpu.memory_space<vmem>> -> memref<80x128xf32, #tpu.memory_space<vmem>>
        %dma_start3A_729 = arith.constant 0 : i32
        %dma_start3A_730 = tpu.memref_slice %arg12[%dma_start3A_724, %dma_start3A_729] : memref<3x80xi32, #tpu.memory_space<vmem>> -> memref<1x80xi32, #tpu.memory_space<vmem>>
        %dma_start3A_731 = tpu.memref_squeeze %dma_start3A_730 : memref<1x80xi32, #tpu.memory_space<vmem>> -> memref<80xi32, #tpu.memory_space<vmem>>
        %dma_start3A_732 = arith.constant 0 : i32
        %dma_start3A_733 = arith.constant 0 : i32
        %dma_start3A_734 = tpu.memref_slice %arg9[%dma_start3A_732, %dma_start3A_733] : memref<10008x128xf32, #tpu.memory_space<vmem_shared>> -> memref<10008x128xf32, #tpu.memory_space<vmem_shared>>
        tpu.enqueue_indirect_dma source(%dma_start3A_728 : memref<80x128xf32, #tpu.memory_space<vmem>>) target(%dma_start3A_734 : memref<10008x128xf32, #tpu.memory_space<vmem_shared>>) offsets(%dma_start3A_731 : memref<80xi32, #tpu.memory_space<vmem>>) semaphore(%arg19 : memref<!tpu.dma_semaphore, #tpu.memory_space<semaphore_mem>>) {add = true}
        %dma_start3A_735 = arith.constant 0 : i32
        %dma_start3A_736 = arith.constant 0 : i32
        %dma_start3A_737 = tpu.memref_slice %arg12[%dma_start3A_735, %dma_start3A_736] : memref<3x80xi32, #tpu.memory_space<vmem>> -> memref<1x80xi32, #tpu.memory_space<vmem>>
        %dma_start3A_738 = tpu.memref_squeeze %dma_start3A_737 : memref<1x80xi32, #tpu.memory_space<vmem>> -> memref<80xi32, #tpu.memory_space<vmem>>
        %dma_start3A_739 = arith.constant 0 : i32
        %dma_start3A_740 = arith.constant 0 : i32
        %dma_start3A_741 = tpu.memref_slice %arg10[%dma_start3A_739, %dma_start3A_740] : memref<10008x16xf32, #tpu.memory_space<vmem_shared>> -> memref<10008x16xf32, #tpu.memory_space<vmem_shared>>
        tpu.enqueue_indirect_dma source(%arg14 : memref<80x16xf32, #tpu.memory_space<vmem>>) target(%dma_start3A_741 : memref<10008x16xf32, #tpu.memory_space<vmem_shared>>) offsets(%dma_start3A_738 : memref<80xi32, #tpu.memory_space<vmem>>) semaphore(%arg22 : memref<!tpu.dma_semaphore, #tpu.memory_space<semaphore_mem>>) {add = true}
      } else {
      }
      %mul3A_598 = arith.constant 3 : i32
      %mul3A_599 = arith.muli %mul3A_598, %scan3A_504 : i32
      %add3A_600 = arith.constant 2 : i32
      %add3A_601 = arith.addi %mul3A_599, %add3A_600 : i32
      %dma_wait3A_602 = arith.constant 2 : i32
      %dma_wait3A_603 = arith.constant 0 : i32
      %dma_wait3A_604 = arith.constant 0 : i32
      %dma_wait3A_605 = tpu.memref_slice %arg11[%dma_wait3A_602, %dma_wait3A_603, %dma_wait3A_604] : memref<3x2x80xi32, #tpu.memory_space<vmem>> -> memref<1x2x80xi32, #tpu.memory_space<vmem>>
      %dma_wait3A_606 = tpu.memref_squeeze %dma_wait3A_605 : memref<1x2x80xi32, #tpu.memory_space<vmem>> -> memref<2x80xi32, #tpu.memory_space<vmem>>
      %dma_wait3A_607 = arith.constant 0 : i32
      %dma_wait3A_608 = arith.constant 0 : i32
      %dma_wait3A_609 = tpu.memref_slice %arg3[%dma_wait3A_607, %dma_wait3A_608] : memref<2x320000xi32, #tpu.memory_space<hbm>> -> memref<2x80xi32, #tpu.memory_space<hbm>>
      %dma_wait3A_610 = arith.constant 0 : i32
      %dma_wait3A_611 = arith.constant 0 : i32
      %dma_wait3A_612 = tpu.memref_slice %arg11[%dma_wait3A_602, %dma_wait3A_610, %dma_wait3A_611] : memref<3x2x80xi32, #tpu.memory_space<vmem>> -> memref<1x2x80xi32, #tpu.memory_space<vmem>>
      %dma_wait3A_613 = tpu.memref_squeeze %dma_wait3A_612 : memref<1x2x80xi32, #tpu.memory_space<vmem>> -> memref<2x80xi32, #tpu.memory_space<vmem>>
      %dma_wait3A_614 = arith.constant 0 : i32
      %dma_wait3A_615 = arith.constant 0 : i32
      %dma_wait3A_616 = tpu.memref_slice %arg3[%dma_wait3A_614, %dma_wait3A_615] : memref<2x320000xi32, #tpu.memory_space<hbm>> -> memref<2x80xi32, #tpu.memory_space<hbm>>
      tpu.wait_dma2 semaphore(%arg15 : memref<!tpu.dma_semaphore, #tpu.memory_space<semaphore_mem>>) src(%dma_wait3A_616 : memref<2x80xi32, #tpu.memory_space<hbm>>) dst(%dma_wait3A_613 : memref<2x80xi32, #tpu.memory_space<vmem>>)
      %ge3A_617 = arith.constant 3 : i32
      %ge3A_618 = arith.cmpi sge, %add3A_601, %ge3A_617 : i32
      %convert_element_type3A_619 = arith.extui %ge3A_618 : i1 to i32
      %cond3A_620 = arith.constant 0 : i32
      %cond3A_621 = arith.cmpi ne, %convert_element_type3A_619, %cond3A_620 : i32
      scf.if %cond3A_621 {
        %dma_wait3A_645 = arith.constant 2 : i32
        %dma_wait3A_646 = arith.constant 2 : i32
        %dma_wait3A_647 = arith.constant 0 : i32
        %dma_wait3A_648 = arith.constant 0 : i32
        %dma_wait3A_649 = tpu.memref_slice %arg13[%dma_wait3A_645, %dma_wait3A_647, %dma_wait3A_648] : memref<3x80x128xf32, #tpu.memory_space<vmem>> -> memref<1x80x128xf32, #tpu.memory_space<vmem>>
        %dma_wait3A_650 = tpu.memref_squeeze %dma_wait3A_649 : memref<1x80x128xf32, #tpu.memory_space<vmem>> -> memref<80x128xf32, #tpu.memory_space<vmem>>
        %dma_wait3A_651 = arith.constant 0 : i32
        %dma_wait3A_652 = tpu.memref_slice %arg12[%dma_wait3A_646, %dma_wait3A_651] : memref<3x80xi32, #tpu.memory_space<vmem>> -> memref<1x80xi32, #tpu.memory_space<vmem>>
        %dma_wait3A_653 = tpu.memref_squeeze %dma_wait3A_652 : memref<1x80xi32, #tpu.memory_space<vmem>> -> memref<80xi32, #tpu.memory_space<vmem>>
        %dma_wait3A_654 = arith.constant 0 : i32
        %dma_wait3A_655 = arith.constant 0 : i32
        %dma_wait3A_656 = tpu.memref_slice %arg9[%dma_wait3A_654, %dma_wait3A_655] : memref<10008x128xf32, #tpu.memory_space<vmem_shared>> -> memref<10008x128xf32, #tpu.memory_space<vmem_shared>>
        tpu.wait_indirect_dma semaphore(%arg21 : memref<!tpu.dma_semaphore, #tpu.memory_space<semaphore_mem>>) src(%dma_wait3A_650 : memref<80x128xf32, #tpu.memory_space<vmem>>) dst(%dma_wait3A_656 : memref<10008x128xf32, #tpu.memory_space<vmem_shared>>)
        %dma_wait3A_657 = arith.constant 2 : i32
        %dma_wait3A_658 = arith.constant 0 : i32
        %dma_wait3A_659 = tpu.memref_slice %arg12[%dma_wait3A_657, %dma_wait3A_658] : memref<3x80xi32, #tpu.memory_space<vmem>> -> memref<1x80xi32, #tpu.memory_space<vmem>>
        %dma_wait3A_660 = tpu.memref_squeeze %dma_wait3A_659 : memref<1x80xi32, #tpu.memory_space<vmem>> -> memref<80xi32, #tpu.memory_space<vmem>>
        %dma_wait3A_661 = arith.constant 0 : i32
        %dma_wait3A_662 = arith.constant 0 : i32
        %dma_wait3A_663 = tpu.memref_slice %arg10[%dma_wait3A_661, %dma_wait3A_662] : memref<10008x16xf32, #tpu.memory_space<vmem_shared>> -> memref<10008x16xf32, #tpu.memory_space<vmem_shared>>
        tpu.wait_indirect_dma semaphore(%arg24 : memref<!tpu.dma_semaphore, #tpu.memory_space<semaphore_mem>>) src(%arg14 : memref<80x16xf32, #tpu.memory_space<vmem>>) dst(%dma_wait3A_663 : memref<10008x16xf32, #tpu.memory_space<vmem_shared>>)
      } else {
      }
      %dma_start3A_622 = arith.constant 2 : i32
      %dma_start3A_623 = arith.constant 0 : i32
      %dma_start3A_624 = arith.constant 2 : i32
      %dma_start3A_625 = arith.constant 0 : i32
      %dma_start3A_626 = arith.constant 0 : i32
      %dma_start3A_627 = tpu.memref_slice %arg13[%dma_start3A_624, %dma_start3A_625, %dma_start3A_626] : memref<3x80x128xf32, #tpu.memory_space<vmem>> -> memref<1x80x128xf32, #tpu.memory_space<vmem>>
      %dma_start3A_628 = tpu.memref_squeeze %dma_start3A_627 : memref<1x80x128xf32, #tpu.memory_space<vmem>> -> memref<80x128xf32, #tpu.memory_space<vmem>>
      %dma_start3A_629 = arith.constant 0 : i32
      %dma_start3A_630 = tpu.memref_slice %arg11[%dma_start3A_622, %dma_start3A_623, %dma_start3A_629] : memref<3x2x80xi32, #tpu.memory_space<vmem>> -> memref<1x1x80xi32, #tpu.memory_space<vmem>>
      %dma_start3A_631 = tpu.memref_squeeze %dma_start3A_630 : memref<1x1x80xi32, #tpu.memory_space<vmem>> -> memref<80xi32, #tpu.memory_space<vmem>>
      %dma_start3A_632 = arith.constant 0 : i32
      %dma_start3A_633 = arith.constant 0 : i32
      %dma_start3A_634 = tpu.memref_slice %arg2[%dma_start3A_632, %dma_start3A_633] : memref<10000x128xf32, #tpu.memory_space<hbm>> -> memref<10000x128xf32, #tpu.memory_space<hbm>>
      tpu.enqueue_indirect_dma source(%dma_start3A_634 : memref<10000x128xf32, #tpu.memory_space<hbm>>) target(%dma_start3A_628 : memref<80x128xf32, #tpu.memory_space<vmem>>) offsets(%dma_start3A_631 : memref<80xi32, #tpu.memory_space<vmem>>) semaphore(%arg18 : memref<!tpu.dma_semaphore, #tpu.memory_space<semaphore_mem>>)
      %lt3A_635 = arith.constant 124 : i32
      %lt3A_636 = arith.cmpi slt, %add3A_601, %lt3A_635 : i32
      %convert_element_type3A_637 = arith.extui %lt3A_636 : i1 to i32
      %cond3A_638 = arith.constant 0 : i32
      %cond3A_639 = arith.cmpi ne, %convert_element_type3A_637, %cond3A_638 : i32
      scf.if %cond3A_639 {
        %add3A_645 = arith.constant 1 : i32
        %add3A_646 = arith.addi %add3A_601, %add3A_645 : i32
        %mul3A_647 = arith.constant 10000 : i32
        %mul3A_648 = arith.muli %add3A, %mul3A_647 : i32
        %mul3A_649 = arith.constant 80 : i32
        %mul3A_650 = arith.muli %add3A_646, %mul3A_649 : i32
        %add3A_651 = arith.addi %mul3A_648, %mul3A_650 : i32
        %dma_start3A_652 = arith.constant 0 : i32
        %dma_start3A_653 = arith.constant 0 : i32
        %dma_start3A_654 = arith.constant 0 : i32
        %dma_start3A_655 = tpu.memref_slice %arg11[%dma_start3A_652, %dma_start3A_653, %dma_start3A_654] : memref<3x2x80xi32, #tpu.memory_space<vmem>> -> memref<1x2x80xi32, #tpu.memory_space<vmem>>
        %dma_start3A_656 = tpu.memref_squeeze %dma_start3A_655 : memref<1x2x80xi32, #tpu.memory_space<vmem>> -> memref<2x80xi32, #tpu.memory_space<vmem>>
        %dma_start3A_657 = arith.constant 0 : i32
        %dma_start3A_658 = tpu.memref_slice %arg3[%dma_start3A_657, %add3A_651] : memref<2x320000xi32, #tpu.memory_space<hbm>> -> memref<2x80xi32, #tpu.memory_space<hbm>>
        %dma_start3A_659 = arith.constant 0 : i32
        %dma_start3A_660 = arith.constant 0 : i32
        %dma_start3A_661 = tpu.memref_slice %arg11[%dma_start3A_652, %dma_start3A_659, %dma_start3A_660] : memref<3x2x80xi32, #tpu.memory_space<vmem>> -> memref<1x2x80xi32, #tpu.memory_space<vmem>>
        %dma_start3A_662 = tpu.memref_squeeze %dma_start3A_661 : memref<1x2x80xi32, #tpu.memory_space<vmem>> -> memref<2x80xi32, #tpu.memory_space<vmem>>
        %dma_start3A_663 = arith.constant 0 : i32
        %dma_start3A_664 = tpu.memref_slice %arg3[%dma_start3A_663, %add3A_651] : memref<2x320000xi32, #tpu.memory_space<hbm>> -> memref<2x80xi32, #tpu.memory_space<hbm>>
        tpu.enqueue_dma source(%dma_start3A_664 : memref<2x80xi32, #tpu.memory_space<hbm>>) target(%dma_start3A_662 : memref<2x80xi32, #tpu.memory_space<vmem>>) target_semaphore(%arg15 : memref<!tpu.dma_semaphore, #tpu.memory_space<semaphore_mem>>)
      } else {
      }
      %ge3A_640 = arith.constant 1 : i32
      %ge3A_641 = arith.cmpi sge, %add3A_601, %ge3A_640 : i32
      %convert_element_type3A_642 = arith.extui %ge3A_641 : i1 to i32
      %cond3A_643 = arith.constant 0 : i32
      %cond3A_644 = arith.cmpi ne, %convert_element_type3A_642, %cond3A_643 : i32
      scf.if %cond3A_644 {
        %dma_wait3A_645 = arith.constant 1 : i32
        %dma_wait3A_646 = arith.constant 0 : i32
        %dma_wait3A_647 = arith.constant 1 : i32
        %dma_wait3A_648 = arith.constant 0 : i32
        %dma_wait3A_649 = arith.constant 0 : i32
        %dma_wait3A_650 = tpu.memref_slice %arg13[%dma_wait3A_647, %dma_wait3A_648, %dma_wait3A_649] : memref<3x80x128xf32, #tpu.memory_space<vmem>> -> memref<1x80x128xf32, #tpu.memory_space<vmem>>
        %dma_wait3A_651 = tpu.memref_squeeze %dma_wait3A_650 : memref<1x80x128xf32, #tpu.memory_space<vmem>> -> memref<80x128xf32, #tpu.memory_space<vmem>>
        %dma_wait3A_652 = arith.constant 0 : i32
        %dma_wait3A_653 = tpu.memref_slice %arg11[%dma_wait3A_645, %dma_wait3A_646, %dma_wait3A_652] : memref<3x2x80xi32, #tpu.memory_space<vmem>> -> memref<1x1x80xi32, #tpu.memory_space<vmem>>
        %dma_wait3A_654 = tpu.memref_squeeze %dma_wait3A_653 : memref<1x1x80xi32, #tpu.memory_space<vmem>> -> memref<80xi32, #tpu.memory_space<vmem>>
        %dma_wait3A_655 = arith.constant 0 : i32
        %dma_wait3A_656 = arith.constant 0 : i32
        %dma_wait3A_657 = tpu.memref_slice %arg2[%dma_wait3A_655, %dma_wait3A_656] : memref<10000x128xf32, #tpu.memory_space<hbm>> -> memref<10000x128xf32, #tpu.memory_space<hbm>>
        tpu.wait_indirect_dma semaphore(%arg17 : memref<!tpu.dma_semaphore, #tpu.memory_space<semaphore_mem>>) src(%dma_wait3A_657 : memref<10000x128xf32, #tpu.memory_space<hbm>>) dst(%dma_wait3A_651 : memref<80x128xf32, #tpu.memory_space<vmem>>)
        %get3A_658 = arith.constant 1 : i32
        %get3A_659 = arith.constant 1 : i32
        %get3A_660 = arith.index_cast %get3A_658 : i32 to index
        %get3A_661 = arith.index_cast %get3A_659 : i32 to index
        %get3A_662 = arith.constant 0 : index
        %get3A_663 = tpu.vector_load %arg11[%get3A_660, %get3A_661, %get3A_662] {strides = array<i32>} : memref<3x2x80xi32, #tpu.memory_space<vmem>>, vector<1x1x16xi32>,
        %get3A_664 = vector.shape_cast %get3A_663 : vector<1x1x16xi32> to vector<16xi32>
        %swap3A_665 = arith.constant 1 : i32
        %swap3A_666 = arith.index_cast %swap3A_665 : i32 to index
        %swap3A_667 = arith.constant 0 : index
        %swap3A_668 = tpu.vector_load %arg12[%swap3A_666, %swap3A_667] {strides = array<i32>} : memref<3x80xi32, #tpu.memory_space<vmem>>, vector<1x16xi32>,
        %swap3A_669 = vector.shape_cast %swap3A_668 : vector<1x16xi32> to vector<16xi32>
        %swap3A_670 = vector.shape_cast %get3A_664 : vector<16xi32> to vector<1x16xi32>
        tpu.vector_store %arg12[%swap3A_666, %swap3A_667], %swap3A_670 {strides = array<i32>} : memref<3x80xi32, #tpu.memory_space<vmem>>, vector<1x16xi32>,
        %get3A_671 = arith.constant 1 : i32
        %get3A_672 = arith.constant 1 : i32
        %get3A_673 = arith.index_cast %get3A_671 : i32 to index
        %get3A_674 = arith.index_cast %get3A_672 : i32 to index
        %get3A_675 = arith.constant 16 : index
        %get3A_676 = tpu.vector_load %arg11[%get3A_673, %get3A_674, %get3A_675] {strides = array<i32>} : memref<3x2x80xi32, #tpu.memory_space<vmem>>, vector<1x1x16xi32>,
        %get3A_677 = vector.shape_cast %get3A_676 : vector<1x1x16xi32> to vector<16xi32>
        %swap3A_678 = arith.constant 1 : i32
        %swap3A_679 = arith.index_cast %swap3A_678 : i32 to index
        %swap3A_680 = arith.constant 16 : index
        %swap3A_681 = tpu.vector_load %arg12[%swap3A_679, %swap3A_680] {strides = array<i32>} : memref<3x80xi32, #tpu.memory_space<vmem>>, vector<1x16xi32>,
        %swap3A_682 = vector.shape_cast %swap3A_681 : vector<1x16xi32> to vector<16xi32>
        %swap3A_683 = vector.shape_cast %get3A_677 : vector<16xi32> to vector<1x16xi32>
        tpu.vector_store %arg12[%swap3A_679, %swap3A_680], %swap3A_683 {strides = array<i32>} : memref<3x80xi32, #tpu.memory_space<vmem>>, vector<1x16xi32>,
        %get3A_684 = arith.constant 1 : i32
        %get3A_685 = arith.constant 1 : i32
        %get3A_686 = arith.index_cast %get3A_684 : i32 to index
        %get3A_687 = arith.index_cast %get3A_685 : i32 to index
        %get3A_688 = arith.constant 32 : index
        %get3A_689 = tpu.vector_load %arg11[%get3A_686, %get3A_687, %get3A_688] {strides = array<i32>} : memref<3x2x80xi32, #tpu.memory_space<vmem>>, vector<1x1x16xi32>,
        %get3A_690 = vector.shape_cast %get3A_689 : vector<1x1x16xi32> to vector<16xi32>
        %swap3A_691 = arith.constant 1 : i32
        %swap3A_692 = arith.index_cast %swap3A_691 : i32 to index
        %swap3A_693 = arith.constant 32 : index
        %swap3A_694 = tpu.vector_load %arg12[%swap3A_692, %swap3A_693] {strides = array<i32>} : memref<3x80xi32, #tpu.memory_space<vmem>>, vector<1x16xi32>,
        %swap3A_695 = vector.shape_cast %swap3A_694 : vector<1x16xi32> to vector<16xi32>
        %swap3A_696 = vector.shape_cast %get3A_690 : vector<16xi32> to vector<1x16xi32>
        tpu.vector_store %arg12[%swap3A_692, %swap3A_693], %swap3A_696 {strides = array<i32>} : memref<3x80xi32, #tpu.memory_space<vmem>>, vector<1x16xi32>,
        %get3A_697 = arith.constant 1 : i32
        %get3A_698 = arith.constant 1 : i32
        %get3A_699 = arith.index_cast %get3A_697 : i32 to index
        %get3A_700 = arith.index_cast %get3A_698 : i32 to index
        %get3A_701 = arith.constant 48 : index
        %get3A_702 = tpu.vector_load %arg11[%get3A_699, %get3A_700, %get3A_701] {strides = array<i32>} : memref<3x2x80xi32, #tpu.memory_space<vmem>>, vector<1x1x16xi32>,
        %get3A_703 = vector.shape_cast %get3A_702 : vector<1x1x16xi32> to vector<16xi32>
        %swap3A_704 = arith.constant 1 : i32
        %swap3A_705 = arith.index_cast %swap3A_704 : i32 to index
        %swap3A_706 = arith.constant 48 : index
        %swap3A_707 = tpu.vector_load %arg12[%swap3A_705, %swap3A_706] {strides = array<i32>} : memref<3x80xi32, #tpu.memory_space<vmem>>, vector<1x16xi32>,
        %swap3A_708 = vector.shape_cast %swap3A_707 : vector<1x16xi32> to vector<16xi32>
        %swap3A_709 = vector.shape_cast %get3A_703 : vector<16xi32> to vector<1x16xi32>
        tpu.vector_store %arg12[%swap3A_705, %swap3A_706], %swap3A_709 {strides = array<i32>} : memref<3x80xi32, #tpu.memory_space<vmem>>, vector<1x16xi32>,
        %get3A_710 = arith.constant 1 : i32
        %get3A_711 = arith.constant 1 : i32
        %get3A_712 = arith.index_cast %get3A_710 : i32 to index
        %get3A_713 = arith.index_cast %get3A_711 : i32 to index
        %get3A_714 = arith.constant 64 : index
        %get3A_715 = tpu.vector_load %arg11[%get3A_712, %get3A_713, %get3A_714] {strides = array<i32>} : memref<3x2x80xi32, #tpu.memory_space<vmem>>, vector<1x1x16xi32>,
        %get3A_716 = vector.shape_cast %get3A_715 : vector<1x1x16xi32> to vector<16xi32>
        %swap3A_717 = arith.constant 1 : i32
        %swap3A_718 = arith.index_cast %swap3A_717 : i32 to index
        %swap3A_719 = arith.constant 64 : index
        %swap3A_720 = tpu.vector_load %arg12[%swap3A_718, %swap3A_719] {strides = array<i32>} : memref<3x80xi32, #tpu.memory_space<vmem>>, vector<1x16xi32>,
        %swap3A_721 = vector.shape_cast %swap3A_720 : vector<1x16xi32> to vector<16xi32>
        %swap3A_722 = vector.shape_cast %get3A_716 : vector<16xi32> to vector<1x16xi32>
        tpu.vector_store %arg12[%swap3A_718, %swap3A_719], %swap3A_722 {strides = array<i32>} : memref<3x80xi32, #tpu.memory_space<vmem>>, vector<1x16xi32>,
        %dma_start3A_723 = arith.constant 1 : i32
        %dma_start3A_724 = arith.constant 1 : i32
        %dma_start3A_725 = arith.constant 0 : i32
        %dma_start3A_726 = arith.constant 0 : i32
        %dma_start3A_727 = tpu.memref_slice %arg13[%dma_start3A_723, %dma_start3A_725, %dma_start3A_726] : memref<3x80x128xf32, #tpu.memory_space<vmem>> -> memref<1x80x128xf32, #tpu.memory_space<vmem>>
        %dma_start3A_728 = tpu.memref_squeeze %dma_start3A_727 : memref<1x80x128xf32, #tpu.memory_space<vmem>> -> memref<80x128xf32, #tpu.memory_space<vmem>>
        %dma_start3A_729 = arith.constant 0 : i32
        %dma_start3A_730 = tpu.memref_slice %arg12[%dma_start3A_724, %dma_start3A_729] : memref<3x80xi32, #tpu.memory_space<vmem>> -> memref<1x80xi32, #tpu.memory_space<vmem>>
        %dma_start3A_731 = tpu.memref_squeeze %dma_start3A_730 : memref<1x80xi32, #tpu.memory_space<vmem>> -> memref<80xi32, #tpu.memory_space<vmem>>
        %dma_start3A_732 = arith.constant 0 : i32
        %dma_start3A_733 = arith.constant 0 : i32
        %dma_start3A_734 = tpu.memref_slice %arg9[%dma_start3A_732, %dma_start3A_733] : memref<10008x128xf32, #tpu.memory_space<vmem_shared>> -> memref<10008x128xf32, #tpu.memory_space<vmem_shared>>
        tpu.enqueue_indirect_dma source(%dma_start3A_728 : memref<80x128xf32, #tpu.memory_space<vmem>>) target(%dma_start3A_734 : memref<10008x128xf32, #tpu.memory_space<vmem_shared>>) offsets(%dma_start3A_731 : memref<80xi32, #tpu.memory_space<vmem>>) semaphore(%arg20 : memref<!tpu.dma_semaphore, #tpu.memory_space<semaphore_mem>>) {add = true}
        %dma_start3A_735 = arith.constant 1 : i32
        %dma_start3A_736 = arith.constant 0 : i32
        %dma_start3A_737 = tpu.memref_slice %arg12[%dma_start3A_735, %dma_start3A_736] : memref<3x80xi32, #tpu.memory_space<vmem>> -> memref<1x80xi32, #tpu.memory_space<vmem>>
        %dma_start3A_738 = tpu.memref_squeeze %dma_start3A_737 : memref<1x80xi32, #tpu.memory_space<vmem>> -> memref<80xi32, #tpu.memory_space<vmem>>
        %dma_start3A_739 = arith.constant 0 : i32
        %dma_start3A_740 = arith.constant 0 : i32
        %dma_start3A_741 = tpu.memref_slice %arg10[%dma_start3A_739, %dma_start3A_740] : memref<10008x16xf32, #tpu.memory_space<vmem_shared>> -> memref<10008x16xf32, #tpu.memory_space<vmem_shared>>
        tpu.enqueue_indirect_dma source(%arg14 : memref<80x16xf32, #tpu.memory_space<vmem>>) target(%dma_start3A_741 : memref<10008x16xf32, #tpu.memory_space<vmem_shared>>) offsets(%dma_start3A_738 : memref<80xi32, #tpu.memory_space<vmem>>) semaphore(%arg23 : memref<!tpu.dma_semaphore, #tpu.memory_space<semaphore_mem>>) {add = true}
      } else {
      }
    }
    %scan3A_32 = arith.constant 41 : i32
    %dma_wait3A = arith.constant 0 : i32
    %dma_wait3A_33 = arith.constant 0 : i32
    %dma_wait3A_34 = arith.constant 0 : i32
    %dma_wait3A_35 = tpu.memref_slice %arg11[%dma_wait3A, %dma_wait3A_33, %dma_wait3A_34] : memref<3x2x80xi32, #tpu.memory_space<vmem>> -> memref<1x2x80xi32, #tpu.memory_space<vmem>>
    %dma_wait3A_36 = tpu.memref_squeeze %dma_wait3A_35 : memref<1x2x80xi32, #tpu.memory_space<vmem>> -> memref<2x80xi32, #tpu.memory_space<vmem>>
    %dma_wait3A_37 = arith.constant 0 : i32
    %dma_wait3A_38 = arith.constant 0 : i32
    %dma_wait3A_39 = tpu.memref_slice %arg3[%dma_wait3A_37, %dma_wait3A_38] : memref<2x320000xi32, #tpu.memory_space<hbm>> -> memref<2x80xi32, #tpu.memory_space<hbm>>
    %dma_wait3A_40 = arith.constant 0 : i32
    %dma_wait3A_41 = arith.constant 0 : i32
    %dma_wait3A_42 = tpu.memref_slice %arg11[%dma_wait3A, %dma_wait3A_40, %dma_wait3A_41] : memref<3x2x80xi32, #tpu.memory_space<vmem>> -> memref<1x2x80xi32, #tpu.memory_space<vmem>>
    %dma_wait3A_43 = tpu.memref_squeeze %dma_wait3A_42 : memref<1x2x80xi32, #tpu.memory_space<vmem>> -> memref<2x80xi32, #tpu.memory_space<vmem>>
    %dma_wait3A_44 = arith.constant 0 : i32
    %dma_wait3A_45 = arith.constant 0 : i32
    %dma_wait3A_46 = tpu.memref_slice %arg3[%dma_wait3A_44, %dma_wait3A_45] : memref<2x320000xi32, #tpu.memory_space<hbm>> -> memref<2x80xi32, #tpu.memory_space<hbm>>
    tpu.wait_dma2 semaphore(%arg15 : memref<!tpu.dma_semaphore, #tpu.memory_space<semaphore_mem>>) src(%dma_wait3A_46 : memref<2x80xi32, #tpu.memory_space<hbm>>) dst(%dma_wait3A_43 : memref<2x80xi32, #tpu.memory_space<vmem>>)
    %dma_wait3A_47 = arith.constant 0 : i32
    %dma_wait3A_48 = arith.constant 0 : i32
    %dma_wait3A_49 = arith.constant 0 : i32
    %dma_wait3A_50 = arith.constant 0 : i32
    %dma_wait3A_51 = tpu.memref_slice %arg13[%dma_wait3A_47, %dma_wait3A_49, %dma_wait3A_50] : memref<3x80x128xf32, #tpu.memory_space<vmem>> -> memref<1x80x128xf32, #tpu.memory_space<vmem>>
    %dma_wait3A_52 = tpu.memref_squeeze %dma_wait3A_51 : memref<1x80x128xf32, #tpu.memory_space<vmem>> -> memref<80x128xf32, #tpu.memory_space<vmem>>
    %dma_wait3A_53 = arith.constant 0 : i32
    %dma_wait3A_54 = tpu.memref_slice %arg12[%dma_wait3A_48, %dma_wait3A_53] : memref<3x80xi32, #tpu.memory_space<vmem>> -> memref<1x80xi32, #tpu.memory_space<vmem>>
    %dma_wait3A_55 = tpu.memref_squeeze %dma_wait3A_54 : memref<1x80xi32, #tpu.memory_space<vmem>> -> memref<80xi32, #tpu.memory_space<vmem>>
    %dma_wait3A_56 = arith.constant 0 : i32
    %dma_wait3A_57 = arith.constant 0 : i32
    %dma_wait3A_58 = tpu.memref_slice %arg9[%dma_wait3A_56, %dma_wait3A_57] : memref<10008x128xf32, #tpu.memory_space<vmem_shared>> -> memref<10008x128xf32, #tpu.memory_space<vmem_shared>>
    tpu.wait_indirect_dma semaphore(%arg19 : memref<!tpu.dma_semaphore, #tpu.memory_space<semaphore_mem>>) src(%dma_wait3A_52 : memref<80x128xf32, #tpu.memory_space<vmem>>) dst(%dma_wait3A_58 : memref<10008x128xf32, #tpu.memory_space<vmem_shared>>)
    %dma_wait3A_59 = arith.constant 0 : i32
    %dma_wait3A_60 = arith.constant 0 : i32
    %dma_wait3A_61 = tpu.memref_slice %arg12[%dma_wait3A_59, %dma_wait3A_60] : memref<3x80xi32, #tpu.memory_space<vmem>> -> memref<1x80xi32, #tpu.memory_space<vmem>>
    %dma_wait3A_62 = tpu.memref_squeeze %dma_wait3A_61 : memref<1x80xi32, #tpu.memory_space<vmem>> -> memref<80xi32, #tpu.memory_space<vmem>>
    %dma_wait3A_63 = arith.constant 0 : i32
    %dma_wait3A_64 = arith.constant 0 : i32
    %dma_wait3A_65 = tpu.memref_slice %arg10[%dma_wait3A_63, %dma_wait3A_64] : memref<10008x16xf32, #tpu.memory_space<vmem_shared>> -> memref<10008x16xf32, #tpu.memory_space<vmem_shared>>
    tpu.wait_indirect_dma semaphore(%arg22 : memref<!tpu.dma_semaphore, #tpu.memory_space<semaphore_mem>>) src(%arg14 : memref<80x16xf32, #tpu.memory_space<vmem>>) dst(%dma_wait3A_65 : memref<10008x16xf32, #tpu.memory_space<vmem_shared>>)
    %dma_start3A_66 = arith.constant 0 : i32
    %dma_start3A_67 = arith.constant 0 : i32
    %dma_start3A_68 = arith.constant 0 : i32
    %dma_start3A_69 = arith.constant 0 : i32
    %dma_start3A_70 = arith.constant 0 : i32
    %dma_start3A_71 = tpu.memref_slice %arg13[%dma_start3A_68, %dma_start3A_69, %dma_start3A_70] : memref<3x80x128xf32, #tpu.memory_space<vmem>> -> memref<1x80x128xf32, #tpu.memory_space<vmem>>
    %dma_start3A_72 = tpu.memref_squeeze %dma_start3A_71 : memref<1x80x128xf32, #tpu.memory_space<vmem>> -> memref<80x128xf32, #tpu.memory_space<vmem>>
    %dma_start3A_73 = arith.constant 0 : i32
    %dma_start3A_74 = tpu.memref_slice %arg11[%dma_start3A_66, %dma_start3A_67, %dma_start3A_73] : memref<3x2x80xi32, #tpu.memory_space<vmem>> -> memref<1x1x80xi32, #tpu.memory_space<vmem>>
    %dma_start3A_75 = tpu.memref_squeeze %dma_start3A_74 : memref<1x1x80xi32, #tpu.memory_space<vmem>> -> memref<80xi32, #tpu.memory_space<vmem>>
    %dma_start3A_76 = arith.constant 0 : i32
    %dma_start3A_77 = arith.constant 0 : i32
    %dma_start3A_78 = tpu.memref_slice %arg2[%dma_start3A_76, %dma_start3A_77] : memref<10000x128xf32, #tpu.memory_space<hbm>> -> memref<10000x128xf32, #tpu.memory_space<hbm>>
    tpu.enqueue_indirect_dma source(%dma_start3A_78 : memref<10000x128xf32, #tpu.memory_space<hbm>>) target(%dma_start3A_72 : memref<80x128xf32, #tpu.memory_space<vmem>>) offsets(%dma_start3A_75 : memref<80xi32, #tpu.memory_space<vmem>>) semaphore(%arg16 : memref<!tpu.dma_semaphore, #tpu.memory_space<semaphore_mem>>)
    %mul3A_79 = arith.constant 10000 : i32
    %mul3A_80 = arith.muli %add3A, %mul3A_79 : i32
    %add3A_81 = arith.constant 9920 : i32
    %add3A_82 = arith.addi %mul3A_80, %add3A_81 : i32
    %dma_start3A_83 = arith.constant 1 : i32
    %dma_start3A_84 = arith.constant 0 : i32
    %dma_start3A_85 = arith.constant 0 : i32
    %dma_start3A_86 = tpu.memref_slice %arg11[%dma_start3A_83, %dma_start3A_84, %dma_start3A_85] : memref<3x2x80xi32, #tpu.memory_space<vmem>> -> memref<1x2x80xi32, #tpu.memory_space<vmem>>
    %dma_start3A_87 = tpu.memref_squeeze %dma_start3A_86 : memref<1x2x80xi32, #tpu.memory_space<vmem>> -> memref<2x80xi32, #tpu.memory_space<vmem>>
    %dma_start3A_88 = arith.constant 0 : i32
    %dma_start3A_89 = tpu.memref_slice %arg3[%dma_start3A_88, %add3A_82] : memref<2x320000xi32, #tpu.memory_space<hbm>> -> memref<2x80xi32, #tpu.memory_space<hbm>>
    %dma_start3A_90 = arith.constant 0 : i32
    %dma_start3A_91 = arith.constant 0 : i32
    %dma_start3A_92 = tpu.memref_slice %arg11[%dma_start3A_83, %dma_start3A_90, %dma_start3A_91] : memref<3x2x80xi32, #tpu.memory_space<vmem>> -> memref<1x2x80xi32, #tpu.memory_space<vmem>>
    %dma_start3A_93 = tpu.memref_squeeze %dma_start3A_92 : memref<1x2x80xi32, #tpu.memory_space<vmem>> -> memref<2x80xi32, #tpu.memory_space<vmem>>
    %dma_start3A_94 = arith.constant 0 : i32
    %dma_start3A_95 = tpu.memref_slice %arg3[%dma_start3A_94, %add3A_82] : memref<2x320000xi32, #tpu.memory_space<hbm>> -> memref<2x80xi32, #tpu.memory_space<hbm>>
    tpu.enqueue_dma source(%dma_start3A_95 : memref<2x80xi32, #tpu.memory_space<hbm>>) target(%dma_start3A_93 : memref<2x80xi32, #tpu.memory_space<vmem>>) target_semaphore(%arg15 : memref<!tpu.dma_semaphore, #tpu.memory_space<semaphore_mem>>)
    %dma_wait3A_96 = arith.constant 2 : i32
    %dma_wait3A_97 = arith.constant 0 : i32
    %dma_wait3A_98 = arith.constant 2 : i32
    %dma_wait3A_99 = arith.constant 0 : i32
    %dma_wait3A_100 = arith.constant 0 : i32
    %dma_wait3A_101 = tpu.memref_slice %arg13[%dma_wait3A_98, %dma_wait3A_99, %dma_wait3A_100] : memref<3x80x128xf32, #tpu.memory_space<vmem>> -> memref<1x80x128xf32, #tpu.memory_space<vmem>>
    %dma_wait3A_102 = tpu.memref_squeeze %dma_wait3A_101 : memref<1x80x128xf32, #tpu.memory_space<vmem>> -> memref<80x128xf32, #tpu.memory_space<vmem>>
    %dma_wait3A_103 = arith.constant 0 : i32
    %dma_wait3A_104 = tpu.memref_slice %arg11[%dma_wait3A_96, %dma_wait3A_97, %dma_wait3A_103] : memref<3x2x80xi32, #tpu.memory_space<vmem>> -> memref<1x1x80xi32, #tpu.memory_space<vmem>>
    %dma_wait3A_105 = tpu.memref_squeeze %dma_wait3A_104 : memref<1x1x80xi32, #tpu.memory_space<vmem>> -> memref<80xi32, #tpu.memory_space<vmem>>
    %dma_wait3A_106 = arith.constant 0 : i32
    %dma_wait3A_107 = arith.constant 0 : i32
    %dma_wait3A_108 = tpu.memref_slice %arg2[%dma_wait3A_106, %dma_wait3A_107] : memref<10000x128xf32, #tpu.memory_space<hbm>> -> memref<10000x128xf32, #tpu.memory_space<hbm>>
    tpu.wait_indirect_dma semaphore(%arg18 : memref<!tpu.dma_semaphore, #tpu.memory_space<semaphore_mem>>) src(%dma_wait3A_108 : memref<10000x128xf32, #tpu.memory_space<hbm>>) dst(%dma_wait3A_102 : memref<80x128xf32, #tpu.memory_space<vmem>>)
    %get3A = arith.constant 2 : i32
    %get3A_109 = arith.constant 1 : i32
    %get3A_110 = arith.index_cast %get3A : i32 to index
    %get3A_111 = arith.index_cast %get3A_109 : i32 to index
    %get3A_112 = arith.constant 0 : index
    %get3A_113 = tpu.vector_load %arg11[%get3A_110, %get3A_111, %get3A_112] {strides = array<i32>} : memref<3x2x80xi32, #tpu.memory_space<vmem>>, vector<1x1x16xi32>,
    %get3A_114 = vector.shape_cast %get3A_113 : vector<1x1x16xi32> to vector<16xi32>
    %swap3A = arith.constant 2 : i32
    %swap3A_115 = arith.index_cast %swap3A : i32 to index
    %swap3A_116 = arith.constant 0 : index
    %swap3A_117 = tpu.vector_load %arg12[%swap3A_115, %swap3A_116] {strides = array<i32>} : memref<3x80xi32, #tpu.memory_space<vmem>>, vector<1x16xi32>,
    %swap3A_118 = vector.shape_cast %swap3A_117 : vector<1x16xi32> to vector<16xi32>
    %swap3A_119 = vector.shape_cast %get3A_114 : vector<16xi32> to vector<1x16xi32>
    tpu.vector_store %arg12[%swap3A_115, %swap3A_116], %swap3A_119 {strides = array<i32>} : memref<3x80xi32, #tpu.memory_space<vmem>>, vector<1x16xi32>,
    %get3A_120 = arith.constant 2 : i32
    %get3A_121 = arith.constant 1 : i32
    %get3A_122 = arith.index_cast %get3A_120 : i32 to index
    %get3A_123 = arith.index_cast %get3A_121 : i32 to index
    %get3A_124 = arith.constant 16 : index
    %get3A_125 = tpu.vector_load %arg11[%get3A_122, %get3A_123, %get3A_124] {strides = array<i32>} : memref<3x2x80xi32, #tpu.memory_space<vmem>>, vector<1x1x16xi32>,
    %get3A_126 = vector.shape_cast %get3A_125 : vector<1x1x16xi32> to vector<16xi32>
    %swap3A_127 = arith.constant 2 : i32
    %swap3A_128 = arith.index_cast %swap3A_127 : i32 to index
    %swap3A_129 = arith.constant 16 : index
    %swap3A_130 = tpu.vector_load %arg12[%swap3A_128, %swap3A_129] {strides = array<i32>} : memref<3x80xi32, #tpu.memory_space<vmem>>, vector<1x16xi32>,
    %swap3A_131 = vector.shape_cast %swap3A_130 : vector<1x16xi32> to vector<16xi32>
    %swap3A_132 = vector.shape_cast %get3A_126 : vector<16xi32> to vector<1x16xi32>
    tpu.vector_store %arg12[%swap3A_128, %swap3A_129], %swap3A_132 {strides = array<i32>} : memref<3x80xi32, #tpu.memory_space<vmem>>, vector<1x16xi32>,
    %get3A_133 = arith.constant 2 : i32
    %get3A_134 = arith.constant 1 : i32
    %get3A_135 = arith.index_cast %get3A_133 : i32 to index
    %get3A_136 = arith.index_cast %get3A_134 : i32 to index
    %get3A_137 = arith.constant 32 : index
    %get3A_138 = tpu.vector_load %arg11[%get3A_135, %get3A_136, %get3A_137] {strides = array<i32>} : memref<3x2x80xi32, #tpu.memory_space<vmem>>, vector<1x1x16xi32>,
    %get3A_139 = vector.shape_cast %get3A_138 : vector<1x1x16xi32> to vector<16xi32>
    %swap3A_140 = arith.constant 2 : i32
    %swap3A_141 = arith.index_cast %swap3A_140 : i32 to index
    %swap3A_142 = arith.constant 32 : index
    %swap3A_143 = tpu.vector_load %arg12[%swap3A_141, %swap3A_142] {strides = array<i32>} : memref<3x80xi32, #tpu.memory_space<vmem>>, vector<1x16xi32>,
    %swap3A_144 = vector.shape_cast %swap3A_143 : vector<1x16xi32> to vector<16xi32>
    %swap3A_145 = vector.shape_cast %get3A_139 : vector<16xi32> to vector<1x16xi32>
    tpu.vector_store %arg12[%swap3A_141, %swap3A_142], %swap3A_145 {strides = array<i32>} : memref<3x80xi32, #tpu.memory_space<vmem>>, vector<1x16xi32>,
    %get3A_146 = arith.constant 2 : i32
    %get3A_147 = arith.constant 1 : i32
    %get3A_148 = arith.index_cast %get3A_146 : i32 to index
    %get3A_149 = arith.index_cast %get3A_147 : i32 to index
    %get3A_150 = arith.constant 48 : index
    %get3A_151 = tpu.vector_load %arg11[%get3A_148, %get3A_149, %get3A_150] {strides = array<i32>} : memref<3x2x80xi32, #tpu.memory_space<vmem>>, vector<1x1x16xi32>,
    %get3A_152 = vector.shape_cast %get3A_151 : vector<1x1x16xi32> to vector<16xi32>
    %swap3A_153 = arith.constant 2 : i32
    %swap3A_154 = arith.index_cast %swap3A_153 : i32 to index
    %swap3A_155 = arith.constant 48 : index
    %swap3A_156 = tpu.vector_load %arg12[%swap3A_154, %swap3A_155] {strides = array<i32>} : memref<3x80xi32, #tpu.memory_space<vmem>>, vector<1x16xi32>,
    %swap3A_157 = vector.shape_cast %swap3A_156 : vector<1x16xi32> to vector<16xi32>
    %swap3A_158 = vector.shape_cast %get3A_152 : vector<16xi32> to vector<1x16xi32>
    tpu.vector_store %arg12[%swap3A_154, %swap3A_155], %swap3A_158 {strides = array<i32>} : memref<3x80xi32, #tpu.memory_space<vmem>>, vector<1x16xi32>,
    %get3A_159 = arith.constant 2 : i32
    %get3A_160 = arith.constant 1 : i32
    %get3A_161 = arith.index_cast %get3A_159 : i32 to index
    %get3A_162 = arith.index_cast %get3A_160 : i32 to index
    %get3A_163 = arith.constant 64 : index
    %get3A_164 = tpu.vector_load %arg11[%get3A_161, %get3A_162, %get3A_163] {strides = array<i32>} : memref<3x2x80xi32, #tpu.memory_space<vmem>>, vector<1x1x16xi32>,
    %get3A_165 = vector.shape_cast %get3A_164 : vector<1x1x16xi32> to vector<16xi32>
    %swap3A_166 = arith.constant 2 : i32
    %swap3A_167 = arith.index_cast %swap3A_166 : i32 to index
    %swap3A_168 = arith.constant 64 : index
    %swap3A_169 = tpu.vector_load %arg12[%swap3A_167, %swap3A_168] {strides = array<i32>} : memref<3x80xi32, #tpu.memory_space<vmem>>, vector<1x16xi32>,
    %swap3A_170 = vector.shape_cast %swap3A_169 : vector<1x16xi32> to vector<16xi32>
    %swap3A_171 = vector.shape_cast %get3A_165 : vector<16xi32> to vector<1x16xi32>
    tpu.vector_store %arg12[%swap3A_167, %swap3A_168], %swap3A_171 {strides = array<i32>} : memref<3x80xi32, #tpu.memory_space<vmem>>, vector<1x16xi32>,
    %dma_start3A_172 = arith.constant 2 : i32
    %dma_start3A_173 = arith.constant 2 : i32
    %dma_start3A_174 = arith.constant 0 : i32
    %dma_start3A_175 = arith.constant 0 : i32
    %dma_start3A_176 = tpu.memref_slice %arg13[%dma_start3A_172, %dma_start3A_174, %dma_start3A_175] : memref<3x80x128xf32, #tpu.memory_space<vmem>> -> memref<1x80x128xf32, #tpu.memory_space<vmem>>
    %dma_start3A_177 = tpu.memref_squeeze %dma_start3A_176 : memref<1x80x128xf32, #tpu.memory_space<vmem>> -> memref<80x128xf32, #tpu.memory_space<vmem>>
    %dma_start3A_178 = arith.constant 0 : i32
    %dma_start3A_179 = tpu.memref_slice %arg12[%dma_start3A_173, %dma_start3A_178] : memref<3x80xi32, #tpu.memory_space<vmem>> -> memref<1x80xi32, #tpu.memory_space<vmem>>
    %dma_start3A_180 = tpu.memref_squeeze %dma_start3A_179 : memref<1x80xi32, #tpu.memory_space<vmem>> -> memref<80xi32, #tpu.memory_space<vmem>>
    %dma_start3A_181 = arith.constant 0 : i32
    %dma_start3A_182 = arith.constant 0 : i32
    %dma_start3A_183 = tpu.memref_slice %arg9[%dma_start3A_181, %dma_start3A_182] : memref<10008x128xf32, #tpu.memory_space<vmem_shared>> -> memref<10008x128xf32, #tpu.memory_space<vmem_shared>>
    tpu.enqueue_indirect_dma source(%dma_start3A_177 : memref<80x128xf32, #tpu.memory_space<vmem>>) target(%dma_start3A_183 : memref<10008x128xf32, #tpu.memory_space<vmem_shared>>) offsets(%dma_start3A_180 : memref<80xi32, #tpu.memory_space<vmem>>) semaphore(%arg21 : memref<!tpu.dma_semaphore, #tpu.memory_space<semaphore_mem>>) {add = true}
    %dma_start3A_184 = arith.constant 2 : i32
    %dma_start3A_185 = arith.constant 0 : i32
    %dma_start3A_186 = tpu.memref_slice %arg12[%dma_start3A_184, %dma_start3A_185] : memref<3x80xi32, #tpu.memory_space<vmem>> -> memref<1x80xi32, #tpu.memory_space<vmem>>
    %dma_start3A_187 = tpu.memref_squeeze %dma_start3A_186 : memref<1x80xi32, #tpu.memory_space<vmem>> -> memref<80xi32, #tpu.memory_space<vmem>>
    %dma_start3A_188 = arith.constant 0 : i32
    %dma_start3A_189 = arith.constant 0 : i32
    %dma_start3A_190 = tpu.memref_slice %arg10[%dma_start3A_188, %dma_start3A_189] : memref<10008x16xf32, #tpu.memory_space<vmem_shared>> -> memref<10008x16xf32, #tpu.memory_space<vmem_shared>>
    tpu.enqueue_indirect_dma source(%arg14 : memref<80x16xf32, #tpu.memory_space<vmem>>) target(%dma_start3A_190 : memref<10008x16xf32, #tpu.memory_space<vmem_shared>>) offsets(%dma_start3A_187 : memref<80xi32, #tpu.memory_space<vmem>>) semaphore(%arg24 : memref<!tpu.dma_semaphore, #tpu.memory_space<semaphore_mem>>) {add = true}
    %dma_wait3A_191 = arith.constant 1 : i32
    %dma_wait3A_192 = arith.constant 0 : i32
    %dma_wait3A_193 = arith.constant 0 : i32
    %dma_wait3A_194 = tpu.memref_slice %arg11[%dma_wait3A_191, %dma_wait3A_192, %dma_wait3A_193] : memref<3x2x80xi32, #tpu.memory_space<vmem>> -> memref<1x2x80xi32, #tpu.memory_space<vmem>>
    %dma_wait3A_195 = tpu.memref_squeeze %dma_wait3A_194 : memref<1x2x80xi32, #tpu.memory_space<vmem>> -> memref<2x80xi32, #tpu.memory_space<vmem>>
    %dma_wait3A_196 = arith.constant 0 : i32
    %dma_wait3A_197 = arith.constant 0 : i32
    %dma_wait3A_198 = tpu.memref_slice %arg3[%dma_wait3A_196, %dma_wait3A_197] : memref<2x320000xi32, #tpu.memory_space<hbm>> -> memref<2x80xi32, #tpu.memory_space<hbm>>
    %dma_wait3A_199 = arith.constant 0 : i32
    %dma_wait3A_200 = arith.constant 0 : i32
    %dma_wait3A_201 = tpu.memref_slice %arg11[%dma_wait3A_191, %dma_wait3A_199, %dma_wait3A_200] : memref<3x2x80xi32, #tpu.memory_space<vmem>> -> memref<1x2x80xi32, #tpu.memory_space<vmem>>
    %dma_wait3A_202 = tpu.memref_squeeze %dma_wait3A_201 : memref<1x2x80xi32, #tpu.memory_space<vmem>> -> memref<2x80xi32, #tpu.memory_space<vmem>>
    %dma_wait3A_203 = arith.constant 0 : i32
    %dma_wait3A_204 = arith.constant 0 : i32
    %dma_wait3A_205 = tpu.memref_slice %arg3[%dma_wait3A_203, %dma_wait3A_204] : memref<2x320000xi32, #tpu.memory_space<hbm>> -> memref<2x80xi32, #tpu.memory_space<hbm>>
    tpu.wait_dma2 semaphore(%arg15 : memref<!tpu.dma_semaphore, #tpu.memory_space<semaphore_mem>>) src(%dma_wait3A_205 : memref<2x80xi32, #tpu.memory_space<hbm>>) dst(%dma_wait3A_202 : memref<2x80xi32, #tpu.memory_space<vmem>>)
    %dma_wait3A_206 = arith.constant 1 : i32
    %dma_wait3A_207 = arith.constant 1 : i32
    %dma_wait3A_208 = arith.constant 0 : i32
    %dma_wait3A_209 = arith.constant 0 : i32
    %dma_wait3A_210 = tpu.memref_slice %arg13[%dma_wait3A_206, %dma_wait3A_208, %dma_wait3A_209] : memref<3x80x128xf32, #tpu.memory_space<vmem>> -> memref<1x80x128xf32, #tpu.memory_space<vmem>>
    %dma_wait3A_211 = tpu.memref_squeeze %dma_wait3A_210 : memref<1x80x128xf32, #tpu.memory_space<vmem>> -> memref<80x128xf32, #tpu.memory_space<vmem>>
    %dma_wait3A_212 = arith.constant 0 : i32
    %dma_wait3A_213 = tpu.memref_slice %arg12[%dma_wait3A_207, %dma_wait3A_212] : memref<3x80xi32, #tpu.memory_space<vmem>> -> memref<1x80xi32, #tpu.memory_space<vmem>>
    %dma_wait3A_214 = tpu.memref_squeeze %dma_wait3A_213 : memref<1x80xi32, #tpu.memory_space<vmem>> -> memref<80xi32, #tpu.memory_space<vmem>>
    %dma_wait3A_215 = arith.constant 0 : i32
    %dma_wait3A_216 = arith.constant 0 : i32
    %dma_wait3A_217 = tpu.memref_slice %arg9[%dma_wait3A_215, %dma_wait3A_216] : memref<10008x128xf32, #tpu.memory_space<vmem_shared>> -> memref<10008x128xf32, #tpu.memory_space<vmem_shared>>
    tpu.wait_indirect_dma semaphore(%arg20 : memref<!tpu.dma_semaphore, #tpu.memory_space<semaphore_mem>>) src(%dma_wait3A_211 : memref<80x128xf32, #tpu.memory_space<vmem>>) dst(%dma_wait3A_217 : memref<10008x128xf32, #tpu.memory_space<vmem_shared>>)
    %dma_wait3A_218 = arith.constant 1 : i32
    %dma_wait3A_219 = arith.constant 0 : i32
    %dma_wait3A_220 = tpu.memref_slice %arg12[%dma_wait3A_218, %dma_wait3A_219] : memref<3x80xi32, #tpu.memory_space<vmem>> -> memref<1x80xi32, #tpu.memory_space<vmem>>
    %dma_wait3A_221 = tpu.memref_squeeze %dma_wait3A_220 : memref<1x80xi32, #tpu.memory_space<vmem>> -> memref<80xi32, #tpu.memory_space<vmem>>
    %dma_wait3A_222 = arith.constant 0 : i32
    %dma_wait3A_223 = arith.constant 0 : i32
    %dma_wait3A_224 = tpu.memref_slice %arg10[%dma_wait3A_222, %dma_wait3A_223] : memref<10008x16xf32, #tpu.memory_space<vmem_shared>> -> memref<10008x16xf32, #tpu.memory_space<vmem_shared>>
    tpu.wait_indirect_dma semaphore(%arg23 : memref<!tpu.dma_semaphore, #tpu.memory_space<semaphore_mem>>) src(%arg14 : memref<80x16xf32, #tpu.memory_space<vmem>>) dst(%dma_wait3A_224 : memref<10008x16xf32, #tpu.memory_space<vmem_shared>>)
    %dma_start3A_225 = arith.constant 1 : i32
    %dma_start3A_226 = arith.constant 0 : i32
    %dma_start3A_227 = arith.constant 1 : i32
    %dma_start3A_228 = arith.constant 0 : i32
    %dma_start3A_229 = arith.constant 0 : i32
    %dma_start3A_230 = tpu.memref_slice %arg13[%dma_start3A_227, %dma_start3A_228, %dma_start3A_229] : memref<3x80x128xf32, #tpu.memory_space<vmem>> -> memref<1x80x128xf32, #tpu.memory_space<vmem>>
    %dma_start3A_231 = tpu.memref_squeeze %dma_start3A_230 : memref<1x80x128xf32, #tpu.memory_space<vmem>> -> memref<80x128xf32, #tpu.memory_space<vmem>>
    %dma_start3A_232 = arith.constant 0 : i32
    %dma_start3A_233 = tpu.memref_slice %arg11[%dma_start3A_225, %dma_start3A_226, %dma_start3A_232] : memref<3x2x80xi32, #tpu.memory_space<vmem>> -> memref<1x1x80xi32, #tpu.memory_space<vmem>>
    %dma_start3A_234 = tpu.memref_squeeze %dma_start3A_233 : memref<1x1x80xi32, #tpu.memory_space<vmem>> -> memref<80xi32, #tpu.memory_space<vmem>>
    %dma_start3A_235 = arith.constant 0 : i32
    %dma_start3A_236 = arith.constant 0 : i32
    %dma_start3A_237 = tpu.memref_slice %arg2[%dma_start3A_235, %dma_start3A_236] : memref<10000x128xf32, #tpu.memory_space<hbm>> -> memref<10000x128xf32, #tpu.memory_space<hbm>>
    tpu.enqueue_indirect_dma source(%dma_start3A_237 : memref<10000x128xf32, #tpu.memory_space<hbm>>) target(%dma_start3A_231 : memref<80x128xf32, #tpu.memory_space<vmem>>) offsets(%dma_start3A_234 : memref<80xi32, #tpu.memory_space<vmem>>) semaphore(%arg17 : memref<!tpu.dma_semaphore, #tpu.memory_space<semaphore_mem>>)
    %dma_wait3A_238 = arith.constant 0 : i32
    %dma_wait3A_239 = arith.constant 0 : i32
    %dma_wait3A_240 = arith.constant 0 : i32
    %dma_wait3A_241 = arith.constant 0 : i32
    %dma_wait3A_242 = arith.constant 0 : i32
    %dma_wait3A_243 = tpu.memref_slice %arg13[%dma_wait3A_240, %dma_wait3A_241, %dma_wait3A_242] : memref<3x80x128xf32, #tpu.memory_space<vmem>> -> memref<1x80x128xf32, #tpu.memory_space<vmem>>
    %dma_wait3A_244 = tpu.memref_squeeze %dma_wait3A_243 : memref<1x80x128xf32, #tpu.memory_space<vmem>> -> memref<80x128xf32, #tpu.memory_space<vmem>>
    %dma_wait3A_245 = arith.constant 0 : i32
    %dma_wait3A_246 = tpu.memref_slice %arg11[%dma_wait3A_238, %dma_wait3A_239, %dma_wait3A_245] : memref<3x2x80xi32, #tpu.memory_space<vmem>> -> memref<1x1x80xi32, #tpu.memory_space<vmem>>
    %dma_wait3A_247 = tpu.memref_squeeze %dma_wait3A_246 : memref<1x1x80xi32, #tpu.memory_space<vmem>> -> memref<80xi32, #tpu.memory_space<vmem>>
    %dma_wait3A_248 = arith.constant 0 : i32
    %dma_wait3A_249 = arith.constant 0 : i32
    %dma_wait3A_250 = tpu.memref_slice %arg2[%dma_wait3A_248, %dma_wait3A_249] : memref<10000x128xf32, #tpu.memory_space<hbm>> -> memref<10000x128xf32, #tpu.memory_space<hbm>>
    tpu.wait_indirect_dma semaphore(%arg16 : memref<!tpu.dma_semaphore, #tpu.memory_space<semaphore_mem>>) src(%dma_wait3A_250 : memref<10000x128xf32, #tpu.memory_space<hbm>>) dst(%dma_wait3A_244 : memref<80x128xf32, #tpu.memory_space<vmem>>)
    %get3A_251 = arith.constant 0 : i32
    %get3A_252 = arith.constant 1 : i32
    %get3A_253 = arith.index_cast %get3A_251 : i32 to index
    %get3A_254 = arith.index_cast %get3A_252 : i32 to index
    %get3A_255 = arith.constant 0 : index
    %get3A_256 = tpu.vector_load %arg11[%get3A_253, %get3A_254, %get3A_255] {strides = array<i32>} : memref<3x2x80xi32, #tpu.memory_space<vmem>>, vector<1x1x16xi32>,
    %get3A_257 = vector.shape_cast %get3A_256 : vector<1x1x16xi32> to vector<16xi32>
    %swap3A_258 = arith.constant 0 : i32
    %swap3A_259 = arith.index_cast %swap3A_258 : i32 to index
    %swap3A_260 = arith.constant 0 : index
    %swap3A_261 = tpu.vector_load %arg12[%swap3A_259, %swap3A_260] {strides = array<i32>} : memref<3x80xi32, #tpu.memory_space<vmem>>, vector<1x16xi32>,
    %swap3A_262 = vector.shape_cast %swap3A_261 : vector<1x16xi32> to vector<16xi32>
    %swap3A_263 = vector.shape_cast %get3A_257 : vector<16xi32> to vector<1x16xi32>
    tpu.vector_store %arg12[%swap3A_259, %swap3A_260], %swap3A_263 {strides = array<i32>} : memref<3x80xi32, #tpu.memory_space<vmem>>, vector<1x16xi32>,
    %get3A_264 = arith.constant 0 : i32
    %get3A_265 = arith.constant 1 : i32
    %get3A_266 = arith.index_cast %get3A_264 : i32 to index
    %get3A_267 = arith.index_cast %get3A_265 : i32 to index
    %get3A_268 = arith.constant 16 : index
    %get3A_269 = tpu.vector_load %arg11[%get3A_266, %get3A_267, %get3A_268] {strides = array<i32>} : memref<3x2x80xi32, #tpu.memory_space<vmem>>, vector<1x1x16xi32>,
    %get3A_270 = vector.shape_cast %get3A_269 : vector<1x1x16xi32> to vector<16xi32>
    %swap3A_271 = arith.constant 0 : i32
    %swap3A_272 = arith.index_cast %swap3A_271 : i32 to index
    %swap3A_273 = arith.constant 16 : index
    %swap3A_274 = tpu.vector_load %arg12[%swap3A_272, %swap3A_273] {strides = array<i32>} : memref<3x80xi32, #tpu.memory_space<vmem>>, vector<1x16xi32>,
    %swap3A_275 = vector.shape_cast %swap3A_274 : vector<1x16xi32> to vector<16xi32>
    %swap3A_276 = vector.shape_cast %get3A_270 : vector<16xi32> to vector<1x16xi32>
    tpu.vector_store %arg12[%swap3A_272, %swap3A_273], %swap3A_276 {strides = array<i32>} : memref<3x80xi32, #tpu.memory_space<vmem>>, vector<1x16xi32>,
    %get3A_277 = arith.constant 0 : i32
    %get3A_278 = arith.constant 1 : i32
    %get3A_279 = arith.index_cast %get3A_277 : i32 to index
    %get3A_280 = arith.index_cast %get3A_278 : i32 to index
    %get3A_281 = arith.constant 32 : index
    %get3A_282 = tpu.vector_load %arg11[%get3A_279, %get3A_280, %get3A_281] {strides = array<i32>} : memref<3x2x80xi32, #tpu.memory_space<vmem>>, vector<1x1x16xi32>,
    %get3A_283 = vector.shape_cast %get3A_282 : vector<1x1x16xi32> to vector<16xi32>
    %swap3A_284 = arith.constant 0 : i32
    %swap3A_285 = arith.index_cast %swap3A_284 : i32 to index
    %swap3A_286 = arith.constant 32 : index
    %swap3A_287 = tpu.vector_load %arg12[%swap3A_285, %swap3A_286] {strides = array<i32>} : memref<3x80xi32, #tpu.memory_space<vmem>>, vector<1x16xi32>,
    %swap3A_288 = vector.shape_cast %swap3A_287 : vector<1x16xi32> to vector<16xi32>
    %swap3A_289 = vector.shape_cast %get3A_283 : vector<16xi32> to vector<1x16xi32>
    tpu.vector_store %arg12[%swap3A_285, %swap3A_286], %swap3A_289 {strides = array<i32>} : memref<3x80xi32, #tpu.memory_space<vmem>>, vector<1x16xi32>,
    %get3A_290 = arith.constant 0 : i32
    %get3A_291 = arith.constant 1 : i32
    %get3A_292 = arith.index_cast %get3A_290 : i32 to index
    %get3A_293 = arith.index_cast %get3A_291 : i32 to index
    %get3A_294 = arith.constant 48 : index
    %get3A_295 = tpu.vector_load %arg11[%get3A_292, %get3A_293, %get3A_294] {strides = array<i32>} : memref<3x2x80xi32, #tpu.memory_space<vmem>>, vector<1x1x16xi32>,
    %get3A_296 = vector.shape_cast %get3A_295 : vector<1x1x16xi32> to vector<16xi32>
    %swap3A_297 = arith.constant 0 : i32
    %swap3A_298 = arith.index_cast %swap3A_297 : i32 to index
    %swap3A_299 = arith.constant 48 : index
    %swap3A_300 = tpu.vector_load %arg12[%swap3A_298, %swap3A_299] {strides = array<i32>} : memref<3x80xi32, #tpu.memory_space<vmem>>, vector<1x16xi32>,
    %swap3A_301 = vector.shape_cast %swap3A_300 : vector<1x16xi32> to vector<16xi32>
    %swap3A_302 = vector.shape_cast %get3A_296 : vector<16xi32> to vector<1x16xi32>
    tpu.vector_store %arg12[%swap3A_298, %swap3A_299], %swap3A_302 {strides = array<i32>} : memref<3x80xi32, #tpu.memory_space<vmem>>, vector<1x16xi32>,
    %get3A_303 = arith.constant 0 : i32
    %get3A_304 = arith.constant 1 : i32
    %get3A_305 = arith.index_cast %get3A_303 : i32 to index
    %get3A_306 = arith.index_cast %get3A_304 : i32 to index
    %get3A_307 = arith.constant 64 : index
    %get3A_308 = tpu.vector_load %arg11[%get3A_305, %get3A_306, %get3A_307] {strides = array<i32>} : memref<3x2x80xi32, #tpu.memory_space<vmem>>, vector<1x1x16xi32>,
    %get3A_309 = vector.shape_cast %get3A_308 : vector<1x1x16xi32> to vector<16xi32>
    %swap3A_310 = arith.constant 0 : i32
    %swap3A_311 = arith.index_cast %swap3A_310 : i32 to index
    %swap3A_312 = arith.constant 64 : index
    %swap3A_313 = tpu.vector_load %arg12[%swap3A_311, %swap3A_312] {strides = array<i32>} : memref<3x80xi32, #tpu.memory_space<vmem>>, vector<1x16xi32>,
    %swap3A_314 = vector.shape_cast %swap3A_313 : vector<1x16xi32> to vector<16xi32>
    %swap3A_315 = vector.shape_cast %get3A_309 : vector<16xi32> to vector<1x16xi32>
    tpu.vector_store %arg12[%swap3A_311, %swap3A_312], %swap3A_315 {strides = array<i32>} : memref<3x80xi32, #tpu.memory_space<vmem>>, vector<1x16xi32>,
    %dma_start3A_316 = arith.constant 0 : i32
    %dma_start3A_317 = arith.constant 0 : i32
    %dma_start3A_318 = arith.constant 0 : i32
    %dma_start3A_319 = arith.constant 0 : i32
    %dma_start3A_320 = tpu.memref_slice %arg13[%dma_start3A_316, %dma_start3A_318, %dma_start3A_319] : memref<3x80x128xf32, #tpu.memory_space<vmem>> -> memref<1x80x128xf32, #tpu.memory_space<vmem>>
    %dma_start3A_321 = tpu.memref_squeeze %dma_start3A_320 : memref<1x80x128xf32, #tpu.memory_space<vmem>> -> memref<80x128xf32, #tpu.memory_space<vmem>>
    %dma_start3A_322 = arith.constant 0 : i32
    %dma_start3A_323 = tpu.memref_slice %arg12[%dma_start3A_317, %dma_start3A_322] : memref<3x80xi32, #tpu.memory_space<vmem>> -> memref<1x80xi32, #tpu.memory_space<vmem>>
    %dma_start3A_324 = tpu.memref_squeeze %dma_start3A_323 : memref<1x80xi32, #tpu.memory_space<vmem>> -> memref<80xi32, #tpu.memory_space<vmem>>
    %dma_start3A_325 = arith.constant 0 : i32
    %dma_start3A_326 = arith.constant 0 : i32
    %dma_start3A_327 = tpu.memref_slice %arg9[%dma_start3A_325, %dma_start3A_326] : memref<10008x128xf32, #tpu.memory_space<vmem_shared>> -> memref<10008x128xf32, #tpu.memory_space<vmem_shared>>
    tpu.enqueue_indirect_dma source(%dma_start3A_321 : memref<80x128xf32, #tpu.memory_space<vmem>>) target(%dma_start3A_327 : memref<10008x128xf32, #tpu.memory_space<vmem_shared>>) offsets(%dma_start3A_324 : memref<80xi32, #tpu.memory_space<vmem>>) semaphore(%arg19 : memref<!tpu.dma_semaphore, #tpu.memory_space<semaphore_mem>>) {add = true}
    %dma_start3A_328 = arith.constant 0 : i32
    %dma_start3A_329 = arith.constant 0 : i32
    %dma_start3A_330 = tpu.memref_slice %arg12[%dma_start3A_328, %dma_start3A_329] : memref<3x80xi32, #tpu.memory_space<vmem>> -> memref<1x80xi32, #tpu.memory_space<vmem>>
    %dma_start3A_331 = tpu.memref_squeeze %dma_start3A_330 : memref<1x80xi32, #tpu.memory_space<vmem>> -> memref<80xi32, #tpu.memory_space<vmem>>
    %dma_start3A_332 = arith.constant 0 : i32
    %dma_start3A_333 = arith.constant 0 : i32
    %dma_start3A_334 = tpu.memref_slice %arg10[%dma_start3A_332, %dma_start3A_333] : memref<10008x16xf32, #tpu.memory_space<vmem_shared>> -> memref<10008x16xf32, #tpu.memory_space<vmem_shared>>
    tpu.enqueue_indirect_dma source(%arg14 : memref<80x16xf32, #tpu.memory_space<vmem>>) target(%dma_start3A_334 : memref<10008x16xf32, #tpu.memory_space<vmem_shared>>) offsets(%dma_start3A_331 : memref<80xi32, #tpu.memory_space<vmem>>) semaphore(%arg22 : memref<!tpu.dma_semaphore, #tpu.memory_space<semaphore_mem>>) {add = true}
    %dma_wait3A_335 = arith.constant 1 : i32
    %dma_wait3A_336 = arith.constant 0 : i32
    %dma_wait3A_337 = arith.constant 1 : i32
    %dma_wait3A_338 = arith.constant 0 : i32
    %dma_wait3A_339 = arith.constant 0 : i32
    %dma_wait3A_340 = tpu.memref_slice %arg13[%dma_wait3A_337, %dma_wait3A_338, %dma_wait3A_339] : memref<3x80x128xf32, #tpu.memory_space<vmem>> -> memref<1x80x128xf32, #tpu.memory_space<vmem>>
    %dma_wait3A_341 = tpu.memref_squeeze %dma_wait3A_340 : memref<1x80x128xf32, #tpu.memory_space<vmem>> -> memref<80x128xf32, #tpu.memory_space<vmem>>
    %dma_wait3A_342 = arith.constant 0 : i32
    %dma_wait3A_343 = tpu.memref_slice %arg11[%dma_wait3A_335, %dma_wait3A_336, %dma_wait3A_342] : memref<3x2x80xi32, #tpu.memory_space<vmem>> -> memref<1x1x80xi32, #tpu.memory_space<vmem>>
    %dma_wait3A_344 = tpu.memref_squeeze %dma_wait3A_343 : memref<1x1x80xi32, #tpu.memory_space<vmem>> -> memref<80xi32, #tpu.memory_space<vmem>>
    %dma_wait3A_345 = arith.constant 0 : i32
    %dma_wait3A_346 = arith.constant 0 : i32
    %dma_wait3A_347 = tpu.memref_slice %arg2[%dma_wait3A_345, %dma_wait3A_346] : memref<10000x128xf32, #tpu.memory_space<hbm>> -> memref<10000x128xf32, #tpu.memory_space<hbm>>
    tpu.wait_indirect_dma semaphore(%arg17 : memref<!tpu.dma_semaphore, #tpu.memory_space<semaphore_mem>>) src(%dma_wait3A_347 : memref<10000x128xf32, #tpu.memory_space<hbm>>) dst(%dma_wait3A_341 : memref<80x128xf32, #tpu.memory_space<vmem>>)
    %get3A_348 = arith.constant 1 : i32
    %get3A_349 = arith.constant 1 : i32
    %get3A_350 = arith.index_cast %get3A_348 : i32 to index
    %get3A_351 = arith.index_cast %get3A_349 : i32 to index
    %get3A_352 = arith.constant 0 : index
    %get3A_353 = tpu.vector_load %arg11[%get3A_350, %get3A_351, %get3A_352] {strides = array<i32>} : memref<3x2x80xi32, #tpu.memory_space<vmem>>, vector<1x1x16xi32>,
    %get3A_354 = vector.shape_cast %get3A_353 : vector<1x1x16xi32> to vector<16xi32>
    %swap3A_355 = arith.constant 1 : i32
    %swap3A_356 = arith.index_cast %swap3A_355 : i32 to index
    %swap3A_357 = arith.constant 0 : index
    %swap3A_358 = tpu.vector_load %arg12[%swap3A_356, %swap3A_357] {strides = array<i32>} : memref<3x80xi32, #tpu.memory_space<vmem>>, vector<1x16xi32>,
    %swap3A_359 = vector.shape_cast %swap3A_358 : vector<1x16xi32> to vector<16xi32>
    %swap3A_360 = vector.shape_cast %get3A_354 : vector<16xi32> to vector<1x16xi32>
    tpu.vector_store %arg12[%swap3A_356, %swap3A_357], %swap3A_360 {strides = array<i32>} : memref<3x80xi32, #tpu.memory_space<vmem>>, vector<1x16xi32>,
    %get3A_361 = arith.constant 1 : i32
    %get3A_362 = arith.constant 1 : i32
    %get3A_363 = arith.index_cast %get3A_361 : i32 to index
    %get3A_364 = arith.index_cast %get3A_362 : i32 to index
    %get3A_365 = arith.constant 16 : index
    %get3A_366 = tpu.vector_load %arg11[%get3A_363, %get3A_364, %get3A_365] {strides = array<i32>} : memref<3x2x80xi32, #tpu.memory_space<vmem>>, vector<1x1x16xi32>,
    %get3A_367 = vector.shape_cast %get3A_366 : vector<1x1x16xi32> to vector<16xi32>
    %swap3A_368 = arith.constant 1 : i32
    %swap3A_369 = arith.index_cast %swap3A_368 : i32 to index
    %swap3A_370 = arith.constant 16 : index
    %swap3A_371 = tpu.vector_load %arg12[%swap3A_369, %swap3A_370] {strides = array<i32>} : memref<3x80xi32, #tpu.memory_space<vmem>>, vector<1x16xi32>,
    %swap3A_372 = vector.shape_cast %swap3A_371 : vector<1x16xi32> to vector<16xi32>
    %swap3A_373 = vector.shape_cast %get3A_367 : vector<16xi32> to vector<1x16xi32>
    tpu.vector_store %arg12[%swap3A_369, %swap3A_370], %swap3A_373 {strides = array<i32>} : memref<3x80xi32, #tpu.memory_space<vmem>>, vector<1x16xi32>,
    %get3A_374 = arith.constant 1 : i32
    %get3A_375 = arith.constant 1 : i32
    %get3A_376 = arith.index_cast %get3A_374 : i32 to index
    %get3A_377 = arith.index_cast %get3A_375 : i32 to index
    %get3A_378 = arith.constant 32 : index
    %get3A_379 = tpu.vector_load %arg11[%get3A_376, %get3A_377, %get3A_378] {strides = array<i32>} : memref<3x2x80xi32, #tpu.memory_space<vmem>>, vector<1x1x16xi32>,
    %get3A_380 = vector.shape_cast %get3A_379 : vector<1x1x16xi32> to vector<16xi32>
    %swap3A_381 = arith.constant 1 : i32
    %swap3A_382 = arith.index_cast %swap3A_381 : i32 to index
    %swap3A_383 = arith.constant 32 : index
    %swap3A_384 = tpu.vector_load %arg12[%swap3A_382, %swap3A_383] {strides = array<i32>} : memref<3x80xi32, #tpu.memory_space<vmem>>, vector<1x16xi32>,
    %swap3A_385 = vector.shape_cast %swap3A_384 : vector<1x16xi32> to vector<16xi32>
    %swap3A_386 = vector.shape_cast %get3A_380 : vector<16xi32> to vector<1x16xi32>
    tpu.vector_store %arg12[%swap3A_382, %swap3A_383], %swap3A_386 {strides = array<i32>} : memref<3x80xi32, #tpu.memory_space<vmem>>, vector<1x16xi32>,
    %get3A_387 = arith.constant 1 : i32
    %get3A_388 = arith.constant 1 : i32
    %get3A_389 = arith.index_cast %get3A_387 : i32 to index
    %get3A_390 = arith.index_cast %get3A_388 : i32 to index
    %get3A_391 = arith.constant 48 : index
    %get3A_392 = tpu.vector_load %arg11[%get3A_389, %get3A_390, %get3A_391] {strides = array<i32>} : memref<3x2x80xi32, #tpu.memory_space<vmem>>, vector<1x1x16xi32>,
    %get3A_393 = vector.shape_cast %get3A_392 : vector<1x1x16xi32> to vector<16xi32>
    %swap3A_394 = arith.constant 1 : i32
    %swap3A_395 = arith.index_cast %swap3A_394 : i32 to index
    %swap3A_396 = arith.constant 48 : index
    %swap3A_397 = tpu.vector_load %arg12[%swap3A_395, %swap3A_396] {strides = array<i32>} : memref<3x80xi32, #tpu.memory_space<vmem>>, vector<1x16xi32>,
    %swap3A_398 = vector.shape_cast %swap3A_397 : vector<1x16xi32> to vector<16xi32>
    %swap3A_399 = vector.shape_cast %get3A_393 : vector<16xi32> to vector<1x16xi32>
    tpu.vector_store %arg12[%swap3A_395, %swap3A_396], %swap3A_399 {strides = array<i32>} : memref<3x80xi32, #tpu.memory_space<vmem>>, vector<1x16xi32>,
    %get3A_400 = arith.constant 1 : i32
    %get3A_401 = arith.constant 1 : i32
    %get3A_402 = arith.index_cast %get3A_400 : i32 to index
    %get3A_403 = arith.index_cast %get3A_401 : i32 to index
    %get3A_404 = arith.constant 64 : index
    %get3A_405 = tpu.vector_load %arg11[%get3A_402, %get3A_403, %get3A_404] {strides = array<i32>} : memref<3x2x80xi32, #tpu.memory_space<vmem>>, vector<1x1x16xi32>,
    %get3A_406 = vector.shape_cast %get3A_405 : vector<1x1x16xi32> to vector<16xi32>
    %swap3A_407 = arith.constant 1 : i32
    %swap3A_408 = arith.index_cast %swap3A_407 : i32 to index
    %swap3A_409 = arith.constant 64 : index
    %swap3A_410 = tpu.vector_load %arg12[%swap3A_408, %swap3A_409] {strides = array<i32>} : memref<3x80xi32, #tpu.memory_space<vmem>>, vector<1x16xi32>,
    %swap3A_411 = vector.shape_cast %swap3A_410 : vector<1x16xi32> to vector<16xi32>
    %swap3A_412 = vector.shape_cast %get3A_406 : vector<16xi32> to vector<1x16xi32>
    tpu.vector_store %arg12[%swap3A_408, %swap3A_409], %swap3A_412 {strides = array<i32>} : memref<3x80xi32, #tpu.memory_space<vmem>>, vector<1x16xi32>,
    %dma_start3A_413 = arith.constant 1 : i32
    %dma_start3A_414 = arith.constant 1 : i32
    %dma_start3A_415 = arith.constant 0 : i32
    %dma_start3A_416 = arith.constant 0 : i32
    %dma_start3A_417 = tpu.memref_slice %arg13[%dma_start3A_413, %dma_start3A_415, %dma_start3A_416] : memref<3x80x128xf32, #tpu.memory_space<vmem>> -> memref<1x80x128xf32, #tpu.memory_space<vmem>>
    %dma_start3A_418 = tpu.memref_squeeze %dma_start3A_417 : memref<1x80x128xf32, #tpu.memory_space<vmem>> -> memref<80x128xf32, #tpu.memory_space<vmem>>
    %dma_start3A_419 = arith.constant 0 : i32
    %dma_start3A_420 = tpu.memref_slice %arg12[%dma_start3A_414, %dma_start3A_419] : memref<3x80xi32, #tpu.memory_space<vmem>> -> memref<1x80xi32, #tpu.memory_space<vmem>>
    %dma_start3A_421 = tpu.memref_squeeze %dma_start3A_420 : memref<1x80xi32, #tpu.memory_space<vmem>> -> memref<80xi32, #tpu.memory_space<vmem>>
    %dma_start3A_422 = arith.constant 0 : i32
    %dma_start3A_423 = arith.constant 0 : i32
    %dma_start3A_424 = tpu.memref_slice %arg9[%dma_start3A_422, %dma_start3A_423] : memref<10008x128xf32, #tpu.memory_space<vmem_shared>> -> memref<10008x128xf32, #tpu.memory_space<vmem_shared>>
    tpu.enqueue_indirect_dma source(%dma_start3A_418 : memref<80x128xf32, #tpu.memory_space<vmem>>) target(%dma_start3A_424 : memref<10008x128xf32, #tpu.memory_space<vmem_shared>>) offsets(%dma_start3A_421 : memref<80xi32, #tpu.memory_space<vmem>>) semaphore(%arg20 : memref<!tpu.dma_semaphore, #tpu.memory_space<semaphore_mem>>) {add = true}
    %dma_start3A_425 = arith.constant 1 : i32
    %dma_start3A_426 = arith.constant 0 : i32
    %dma_start3A_427 = tpu.memref_slice %arg12[%dma_start3A_425, %dma_start3A_426] : memref<3x80xi32, #tpu.memory_space<vmem>> -> memref<1x80xi32, #tpu.memory_space<vmem>>
    %dma_start3A_428 = tpu.memref_squeeze %dma_start3A_427 : memref<1x80xi32, #tpu.memory_space<vmem>> -> memref<80xi32, #tpu.memory_space<vmem>>
    %dma_start3A_429 = arith.constant 0 : i32
    %dma_start3A_430 = arith.constant 0 : i32
    %dma_start3A_431 = tpu.memref_slice %arg10[%dma_start3A_429, %dma_start3A_430] : memref<10008x16xf32, #tpu.memory_space<vmem_shared>> -> memref<10008x16xf32, #tpu.memory_space<vmem_shared>>
    tpu.enqueue_indirect_dma source(%arg14 : memref<80x16xf32, #tpu.memory_space<vmem>>) target(%dma_start3A_431 : memref<10008x16xf32, #tpu.memory_space<vmem_shared>>) offsets(%dma_start3A_428 : memref<80xi32, #tpu.memory_space<vmem>>) semaphore(%arg23 : memref<!tpu.dma_semaphore, #tpu.memory_space<semaphore_mem>>) {add = true}
    %dma_wait3A_432 = arith.constant 2 : i32
    %dma_wait3A_433 = arith.constant 2 : i32
    %dma_wait3A_434 = arith.constant 0 : i32
    %dma_wait3A_435 = arith.constant 0 : i32
    %dma_wait3A_436 = tpu.memref_slice %arg13[%dma_wait3A_432, %dma_wait3A_434, %dma_wait3A_435] : memref<3x80x128xf32, #tpu.memory_space<vmem>> -> memref<1x80x128xf32, #tpu.memory_space<vmem>>
    %dma_wait3A_437 = tpu.memref_squeeze %dma_wait3A_436 : memref<1x80x128xf32, #tpu.memory_space<vmem>> -> memref<80x128xf32, #tpu.memory_space<vmem>>
    %dma_wait3A_438 = arith.constant 0 : i32
    %dma_wait3A_439 = tpu.memref_slice %arg12[%dma_wait3A_433, %dma_wait3A_438] : memref<3x80xi32, #tpu.memory_space<vmem>> -> memref<1x80xi32, #tpu.memory_space<vmem>>
    %dma_wait3A_440 = tpu.memref_squeeze %dma_wait3A_439 : memref<1x80xi32, #tpu.memory_space<vmem>> -> memref<80xi32, #tpu.memory_space<vmem>>
    %dma_wait3A_441 = arith.constant 0 : i32
    %dma_wait3A_442 = arith.constant 0 : i32
    %dma_wait3A_443 = tpu.memref_slice %arg9[%dma_wait3A_441, %dma_wait3A_442] : memref<10008x128xf32, #tpu.memory_space<vmem_shared>> -> memref<10008x128xf32, #tpu.memory_space<vmem_shared>>
    tpu.wait_indirect_dma semaphore(%arg21 : memref<!tpu.dma_semaphore, #tpu.memory_space<semaphore_mem>>) src(%dma_wait3A_437 : memref<80x128xf32, #tpu.memory_space<vmem>>) dst(%dma_wait3A_443 : memref<10008x128xf32, #tpu.memory_space<vmem_shared>>)
    %dma_wait3A_444 = arith.constant 2 : i32
    %dma_wait3A_445 = arith.constant 0 : i32
    %dma_wait3A_446 = tpu.memref_slice %arg12[%dma_wait3A_444, %dma_wait3A_445] : memref<3x80xi32, #tpu.memory_space<vmem>> -> memref<1x80xi32, #tpu.memory_space<vmem>>
    %dma_wait3A_447 = tpu.memref_squeeze %dma_wait3A_446 : memref<1x80xi32, #tpu.memory_space<vmem>> -> memref<80xi32, #tpu.memory_space<vmem>>
    %dma_wait3A_448 = arith.constant 0 : i32
    %dma_wait3A_449 = arith.constant 0 : i32
    %dma_wait3A_450 = tpu.memref_slice %arg10[%dma_wait3A_448, %dma_wait3A_449] : memref<10008x16xf32, #tpu.memory_space<vmem_shared>> -> memref<10008x16xf32, #tpu.memory_space<vmem_shared>>
    tpu.wait_indirect_dma semaphore(%arg24 : memref<!tpu.dma_semaphore, #tpu.memory_space<semaphore_mem>>) src(%arg14 : memref<80x16xf32, #tpu.memory_space<vmem>>) dst(%dma_wait3A_450 : memref<10008x16xf32, #tpu.memory_space<vmem_shared>>)
    %dma_wait3A_451 = arith.constant 0 : i32
    %dma_wait3A_452 = arith.constant 0 : i32
    %dma_wait3A_453 = arith.constant 0 : i32
    %dma_wait3A_454 = arith.constant 0 : i32
    %dma_wait3A_455 = tpu.memref_slice %arg13[%dma_wait3A_451, %dma_wait3A_453, %dma_wait3A_454] : memref<3x80x128xf32, #tpu.memory_space<vmem>> -> memref<1x80x128xf32, #tpu.memory_space<vmem>>
    %dma_wait3A_456 = tpu.memref_squeeze %dma_wait3A_455 : memref<1x80x128xf32, #tpu.memory_space<vmem>> -> memref<80x128xf32, #tpu.memory_space<vmem>>
    %dma_wait3A_457 = arith.constant 0 : i32
    %dma_wait3A_458 = tpu.memref_slice %arg12[%dma_wait3A_452, %dma_wait3A_457] : memref<3x80xi32, #tpu.memory_space<vmem>> -> memref<1x80xi32, #tpu.memory_space<vmem>>
    %dma_wait3A_459 = tpu.memref_squeeze %dma_wait3A_458 : memref<1x80xi32, #tpu.memory_space<vmem>> -> memref<80xi32, #tpu.memory_space<vmem>>
    %dma_wait3A_460 = arith.constant 0 : i32
    %dma_wait3A_461 = arith.constant 0 : i32
    %dma_wait3A_462 = tpu.memref_slice %arg9[%dma_wait3A_460, %dma_wait3A_461] : memref<10008x128xf32, #tpu.memory_space<vmem_shared>> -> memref<10008x128xf32, #tpu.memory_space<vmem_shared>>
    tpu.wait_indirect_dma semaphore(%arg19 : memref<!tpu.dma_semaphore, #tpu.memory_space<semaphore_mem>>) src(%dma_wait3A_456 : memref<80x128xf32, #tpu.memory_space<vmem>>) dst(%dma_wait3A_462 : memref<10008x128xf32, #tpu.memory_space<vmem_shared>>)
    %dma_wait3A_463 = arith.constant 0 : i32
    %dma_wait3A_464 = arith.constant 0 : i32
    %dma_wait3A_465 = tpu.memref_slice %arg12[%dma_wait3A_463, %dma_wait3A_464] : memref<3x80xi32, #tpu.memory_space<vmem>> -> memref<1x80xi32, #tpu.memory_space<vmem>>
    %dma_wait3A_466 = tpu.memref_squeeze %dma_wait3A_465 : memref<1x80xi32, #tpu.memory_space<vmem>> -> memref<80xi32, #tpu.memory_space<vmem>>
    %dma_wait3A_467 = arith.constant 0 : i32
    %dma_wait3A_468 = arith.constant 0 : i32
    %dma_wait3A_469 = tpu.memref_slice %arg10[%dma_wait3A_467, %dma_wait3A_468] : memref<10008x16xf32, #tpu.memory_space<vmem_shared>> -> memref<10008x16xf32, #tpu.memory_space<vmem_shared>>
    tpu.wait_indirect_dma semaphore(%arg22 : memref<!tpu.dma_semaphore, #tpu.memory_space<semaphore_mem>>) src(%arg14 : memref<80x16xf32, #tpu.memory_space<vmem>>) dst(%dma_wait3A_469 : memref<10008x16xf32, #tpu.memory_space<vmem_shared>>)
    %dma_wait3A_470 = arith.constant 1 : i32
    %dma_wait3A_471 = arith.constant 1 : i32
    %dma_wait3A_472 = arith.constant 0 : i32
    %dma_wait3A_473 = arith.constant 0 : i32
    %dma_wait3A_474 = tpu.memref_slice %arg13[%dma_wait3A_470, %dma_wait3A_472, %dma_wait3A_473] : memref<3x80x128xf32, #tpu.memory_space<vmem>> -> memref<1x80x128xf32, #tpu.memory_space<vmem>>
    %dma_wait3A_475 = tpu.memref_squeeze %dma_wait3A_474 : memref<1x80x128xf32, #tpu.memory_space<vmem>> -> memref<80x128xf32, #tpu.memory_space<vmem>>
    %dma_wait3A_476 = arith.constant 0 : i32
    %dma_wait3A_477 = tpu.memref_slice %arg12[%dma_wait3A_471, %dma_wait3A_476] : memref<3x80xi32, #tpu.memory_space<vmem>> -> memref<1x80xi32, #tpu.memory_space<vmem>>
    %dma_wait3A_478 = tpu.memref_squeeze %dma_wait3A_477 : memref<1x80xi32, #tpu.memory_space<vmem>> -> memref<80xi32, #tpu.memory_space<vmem>>
    %dma_wait3A_479 = arith.constant 0 : i32
    %dma_wait3A_480 = arith.constant 0 : i32
    %dma_wait3A_481 = tpu.memref_slice %arg9[%dma_wait3A_479, %dma_wait3A_480] : memref<10008x128xf32, #tpu.memory_space<vmem_shared>> -> memref<10008x128xf32, #tpu.memory_space<vmem_shared>>
    tpu.wait_indirect_dma semaphore(%arg20 : memref<!tpu.dma_semaphore, #tpu.memory_space<semaphore_mem>>) src(%dma_wait3A_475 : memref<80x128xf32, #tpu.memory_space<vmem>>) dst(%dma_wait3A_481 : memref<10008x128xf32, #tpu.memory_space<vmem_shared>>)
    %dma_wait3A_482 = arith.constant 1 : i32
    %dma_wait3A_483 = arith.constant 0 : i32
    %dma_wait3A_484 = tpu.memref_slice %arg12[%dma_wait3A_482, %dma_wait3A_483] : memref<3x80xi32, #tpu.memory_space<vmem>> -> memref<1x80xi32, #tpu.memory_space<vmem>>
    %dma_wait3A_485 = tpu.memref_squeeze %dma_wait3A_484 : memref<1x80xi32, #tpu.memory_space<vmem>> -> memref<80xi32, #tpu.memory_space<vmem>>
    %dma_wait3A_486 = arith.constant 0 : i32
    %dma_wait3A_487 = arith.constant 0 : i32
    %dma_wait3A_488 = tpu.memref_slice %arg10[%dma_wait3A_486, %dma_wait3A_487] : memref<10008x16xf32, #tpu.memory_space<vmem_shared>> -> memref<10008x16xf32, #tpu.memory_space<vmem_shared>>
    tpu.wait_indirect_dma semaphore(%arg23 : memref<!tpu.dma_semaphore, #tpu.memory_space<semaphore_mem>>) src(%arg14 : memref<80x16xf32, #tpu.memory_space<vmem>>) dst(%dma_wait3A_488 : memref<10008x16xf32, #tpu.memory_space<vmem_shared>>)
    %barrier3A_489 = arith.constant 0 : index
    tpu.barrier barrier_id(%barrier3A_489)
    %add3A_490 = arith.constant 0 : i32
    %add3A_491 = arith.addi %arg1, %add3A_490 : i32
    %lt3A_492 = arith.constant 25 : i32
    %lt3A_493 = arith.cmpi slt, %add3A_491, %lt3A_492 : i32
    %convert_element_type3A_494 = arith.extui %lt3A_493 : i1 to i32
    %cond3A_495 = arith.constant 0 : i32
    %cond3A_496 = arith.cmpi ne, %convert_element_type3A_494, %cond3A_495 : i32
    scf.if %cond3A_496 {
      %mul3A_504 = arith.constant 400 : i32
      %mul3A_505 = arith.muli %add3A_491, %mul3A_504 : i32
      "tpu.region"() ({
        %run_scoped3A = tpu.sem_alloc : memref<!tpu.dma_semaphore, #tpu.memory_space<semaphore_mem>>
        %dma_start3A_506 = arith.constant 0 : i32
        %dma_start3A_507 = tpu.memref_slice %arg7[%arg0, %mul3A_505, %dma_start3A_506] : memref<2x10000x128xf32, #tpu.memory_space<hbm>> -> memref<1x400x128xf32, #tpu.memory_space<hbm>>
        %dma_start3A_508 = tpu.memref_squeeze %dma_start3A_507 : memref<1x400x128xf32, #tpu.memory_space<hbm>> -> memref<400x128xf32, #tpu.memory_space<hbm>>
        %dma_start3A_509 = arith.constant 0 : i32
        %dma_start3A_510 = tpu.memref_slice %arg9[%mul3A_505, %dma_start3A_509] : memref<10008x128xf32, #tpu.memory_space<vmem_shared>> -> memref<400x128xf32, #tpu.memory_space<vmem_shared>>
        tpu.enqueue_dma source(%dma_start3A_510 : memref<400x128xf32, #tpu.memory_space<vmem_shared>>) target(%dma_start3A_508 : memref<400x128xf32, #tpu.memory_space<hbm>>) target_semaphore(%run_scoped3A : memref<!tpu.dma_semaphore, #tpu.memory_space<semaphore_mem>>)
        %dma_wait3A_511 = arith.constant 0 : i32
        %dma_wait3A_512 = tpu.memref_slice %arg7[%arg0, %mul3A_505, %dma_wait3A_511] : memref<2x10000x128xf32, #tpu.memory_space<hbm>> -> memref<1x400x128xf32, #tpu.memory_space<hbm>>
        %dma_wait3A_513 = tpu.memref_squeeze %dma_wait3A_512 : memref<1x400x128xf32, #tpu.memory_space<hbm>> -> memref<400x128xf32, #tpu.memory_space<hbm>>
        %dma_wait3A_514 = arith.constant 0 : i32
        %dma_wait3A_515 = tpu.memref_slice %arg9[%mul3A_505, %dma_wait3A_514] : memref<10008x128xf32, #tpu.memory_space<vmem_shared>> -> memref<400x128xf32, #tpu.memory_space<vmem_shared>>
        tpu.wait_dma2 semaphore(%run_scoped3A : memref<!tpu.dma_semaphore, #tpu.memory_space<semaphore_mem>>) src(%dma_wait3A_515 : memref<400x128xf32, #tpu.memory_space<vmem_shared>>) dst(%dma_wait3A_513 : memref<400x128xf32, #tpu.memory_space<hbm>>)
        tpu.yield
      }) : () -> ()
      "tpu.region"() ({
        %run_scoped3A = tpu.sem_alloc : memref<!tpu.dma_semaphore, #tpu.memory_space<semaphore_mem>>
        %dma_start3A_506 = arith.constant 0 : i32
        %dma_start3A_507 = tpu.memref_slice %arg8[%arg0, %mul3A_505, %dma_start3A_506] : memref<2x10000x16xf32, #tpu.memory_space<hbm>> -> memref<1x400x16xf32, #tpu.memory_space<hbm>>
        %dma_start3A_508 = tpu.memref_squeeze %dma_start3A_507 : memref<1x400x16xf32, #tpu.memory_space<hbm>> -> memref<400x16xf32, #tpu.memory_space<hbm>>
        %dma_start3A_509 = arith.constant 0 : i32
        %dma_start3A_510 = tpu.memref_slice %arg10[%mul3A_505, %dma_start3A_509] : memref<10008x16xf32, #tpu.memory_space<vmem_shared>> -> memref<400x16xf32, #tpu.memory_space<vmem_shared>>
        tpu.enqueue_dma source(%dma_start3A_510 : memref<400x16xf32, #tpu.memory_space<vmem_shared>>) target(%dma_start3A_508 : memref<400x16xf32, #tpu.memory_space<hbm>>) target_semaphore(%run_scoped3A : memref<!tpu.dma_semaphore, #tpu.memory_space<semaphore_mem>>)
        %dma_wait3A_511 = arith.constant 0 : i32
        %dma_wait3A_512 = tpu.memref_slice %arg8[%arg0, %mul3A_505, %dma_wait3A_511] : memref<2x10000x16xf32, #tpu.memory_space<hbm>> -> memref<1x400x16xf32, #tpu.memory_space<hbm>>
        %dma_wait3A_513 = tpu.memref_squeeze %dma_wait3A_512 : memref<1x400x16xf32, #tpu.memory_space<hbm>> -> memref<400x16xf32, #tpu.memory_space<hbm>>
        %dma_wait3A_514 = arith.constant 0 : i32
        %dma_wait3A_515 = tpu.memref_slice %arg10[%mul3A_505, %dma_wait3A_514] : memref<10008x16xf32, #tpu.memory_space<vmem_shared>> -> memref<400x16xf32, #tpu.memory_space<vmem_shared>>
        tpu.wait_dma2 semaphore(%run_scoped3A : memref<!tpu.dma_semaphore, #tpu.memory_space<semaphore_mem>>) src(%dma_wait3A_515 : memref<400x16xf32, #tpu.memory_space<vmem_shared>>) dst(%dma_wait3A_513 : memref<400x16xf32, #tpu.memory_space<hbm>>)
        tpu.yield
      }) : () -> ()
    } else {
    }
    %add3A_497 = arith.constant 16 : i32
    %add3A_498 = arith.addi %arg1, %add3A_497 : i32
    %lt3A_499 = arith.constant 25 : i32
    %lt3A_500 = arith.cmpi slt, %add3A_498, %lt3A_499 : i32
    %convert_element_type3A_501 = arith.extui %lt3A_500 : i1 to i32
    %cond3A_502 = arith.constant 0 : i32
    %cond3A_503 = arith.cmpi ne, %convert_element_type3A_501, %cond3A_502 : i32
    scf.if %cond3A_503 {
      %mul3A_504 = arith.constant 400 : i32
      %mul3A_505 = arith.muli %add3A_498, %mul3A_504 : i32
      "tpu.region"() ({
        %run_scoped3A = tpu.sem_alloc : memref<!tpu.dma_semaphore, #tpu.memory_space<semaphore_mem>>
        %dma_start3A_506 = arith.constant 0 : i32
        %dma_start3A_507 = tpu.memref_slice %arg7[%arg0, %mul3A_505, %dma_start3A_506] : memref<2x10000x128xf32, #tpu.memory_space<hbm>> -> memref<1x400x128xf32, #tpu.memory_space<hbm>>
        %dma_start3A_508 = tpu.memref_squeeze %dma_start3A_507 : memref<1x400x128xf32, #tpu.memory_space<hbm>> -> memref<400x128xf32, #tpu.memory_space<hbm>>
        %dma_start3A_509 = arith.constant 0 : i32
        %dma_start3A_510 = tpu.memref_slice %arg9[%mul3A_505, %dma_start3A_509] : memref<10008x128xf32, #tpu.memory_space<vmem_shared>> -> memref<400x128xf32, #tpu.memory_space<vmem_shared>>
        tpu.enqueue_dma source(%dma_start3A_510 : memref<400x128xf32, #tpu.memory_space<vmem_shared>>) target(%dma_start3A_508 : memref<400x128xf32, #tpu.memory_space<hbm>>) target_semaphore(%run_scoped3A : memref<!tpu.dma_semaphore, #tpu.memory_space<semaphore_mem>>)
        %dma_wait3A_511 = arith.constant 0 : i32
        %dma_wait3A_512 = tpu.memref_slice %arg7[%arg0, %mul3A_505, %dma_wait3A_511] : memref<2x10000x128xf32, #tpu.memory_space<hbm>> -> memref<1x400x128xf32, #tpu.memory_space<hbm>>
        %dma_wait3A_513 = tpu.memref_squeeze %dma_wait3A_512 : memref<1x400x128xf32, #tpu.memory_space<hbm>> -> memref<400x128xf32, #tpu.memory_space<hbm>>
        %dma_wait3A_514 = arith.constant 0 : i32
        %dma_wait3A_515 = tpu.memref_slice %arg9[%mul3A_505, %dma_wait3A_514] : memref<10008x128xf32, #tpu.memory_space<vmem_shared>> -> memref<400x128xf32, #tpu.memory_space<vmem_shared>>
        tpu.wait_dma2 semaphore(%run_scoped3A : memref<!tpu.dma_semaphore, #tpu.memory_space<semaphore_mem>>) src(%dma_wait3A_515 : memref<400x128xf32, #tpu.memory_space<vmem_shared>>) dst(%dma_wait3A_513 : memref<400x128xf32, #tpu.memory_space<hbm>>)
        tpu.yield
      }) : () -> ()
      "tpu.region"() ({
        %run_scoped3A = tpu.sem_alloc : memref<!tpu.dma_semaphore, #tpu.memory_space<semaphore_mem>>
        %dma_start3A_506 = arith.constant 0 : i32
        %dma_start3A_507 = tpu.memref_slice %arg8[%arg0, %mul3A_505, %dma_start3A_506] : memref<2x10000x16xf32, #tpu.memory_space<hbm>> -> memref<1x400x16xf32, #tpu.memory_space<hbm>>
        %dma_start3A_508 = tpu.memref_squeeze %dma_start3A_507 : memref<1x400x16xf32, #tpu.memory_space<hbm>> -> memref<400x16xf32, #tpu.memory_space<hbm>>
        %dma_start3A_509 = arith.constant 0 : i32
        %dma_start3A_510 = tpu.memref_slice %arg10[%mul3A_505, %dma_start3A_509] : memref<10008x16xf32, #tpu.memory_space<vmem_shared>> -> memref<400x16xf32, #tpu.memory_space<vmem_shared>>
        tpu.enqueue_dma source(%dma_start3A_510 : memref<400x16xf32, #tpu.memory_space<vmem_shared>>) target(%dma_start3A_508 : memref<400x16xf32, #tpu.memory_space<hbm>>) target_semaphore(%run_scoped3A : memref<!tpu.dma_semaphore, #tpu.memory_space<semaphore_mem>>)
        %dma_wait3A_511 = arith.constant 0 : i32
        %dma_wait3A_512 = tpu.memref_slice %arg8[%arg0, %mul3A_505, %dma_wait3A_511] : memref<2x10000x16xf32, #tpu.memory_space<hbm>> -> memref<1x400x16xf32, #tpu.memory_space<hbm>>
        %dma_wait3A_513 = tpu.memref_squeeze %dma_wait3A_512 : memref<1x400x16xf32, #tpu.memory_space<hbm>> -> memref<400x16xf32, #tpu.memory_space<hbm>>
        %dma_wait3A_514 = arith.constant 0 : i32
        %dma_wait3A_515 = tpu.memref_slice %arg10[%mul3A_505, %dma_wait3A_514] : memref<10008x16xf32, #tpu.memory_space<vmem_shared>> -> memref<400x16xf32, #tpu.memory_space<vmem_shared>>
        tpu.wait_dma2 semaphore(%run_scoped3A : memref<!tpu.dma_semaphore, #tpu.memory_space<semaphore_mem>>) src(%dma_wait3A_515 : memref<400x16xf32, #tpu.memory_space<vmem_shared>>) dst(%dma_wait3A_513 : memref<400x16xf32, #tpu.memory_space<hbm>>)
        tpu.yield
      }) : () -> ()
    } else {
    }
    return
  }
}

module attributes {stable_mosaic.version = 14 : i64} {
  func.func @_tc_body(%arg0: i32, %arg1: memref<2000x128xf32, #tpu.memory_space<vmem>>, %arg2: memref<2x2000x128xf32, #tpu.memory_space<vmem>>, %arg3: memref<2x2000x16xf32, #tpu.memory_space<vmem>>, %arg4: memref<4x128x128xf32, #tpu.memory_space<vmem>>, %arg5: memref<4x128x128xf32, #tpu.memory_space<vmem>>, %arg6: memref<4x128xf32, #tpu.memory_space<vmem>>, %arg7: memref<2000x128xf32, #tpu.memory_space<vmem>>) attributes {dimension_semantics = [#tpu.dimension_semantics<arbitrary>], iteration_bounds = array<i64: 5>, scalar_prefetch = 0 : i64, scratch_operands = 0 : i64, tpu.core_type = #tpu.core_type<tc>, window_params = [{transform_indices = @transform_0, window_bounds = array<i64: 2000, 128>}, {transform_indices = @transform_1, window_bounds = array<i64: 2, 2000, 128>}, {transform_indices = @transform_2, window_bounds = array<i64: 2, 2000, 16>}, {pipeline_mode = #tpu.pipeline_mode<synchronous>, transform_indices = @transform_3, window_bounds = array<i64: 4, 128, 128>}, {pipeline_mode = #tpu.pipeline_mode<synchronous>, transform_indices = @transform_4, window_bounds = array<i64: 4, 128, 128>}, {pipeline_mode = #tpu.pipeline_mode<synchronous>, transform_indices = @transform_5, window_bounds = array<i64: 4, 128>}, {transform_indices = @transform_6, window_bounds = array<i64: 2000, 128>}]} {
    %get3A = arith.constant 0 : index
    %get3A_0 = arith.constant 0 : index
    %get3A_1 = arith.constant 0 : index
    %get3A_2 = vector.load %arg2[%get3A, %get3A_0, %get3A_1] : memref<2x2000x128xf32, #tpu.memory_space<vmem>>, vector<1x2000x128xf32>
    %get3A_3 = vector.shape_cast %get3A_2 : vector<1x2000x128xf32> to vector<2000x128xf32>
    %get3A_4 = arith.constant 1 : index
    %get3A_5 = arith.constant 0 : index
    %get3A_6 = arith.constant 0 : index
    %get3A_7 = vector.load %arg2[%get3A_4, %get3A_5, %get3A_6] : memref<2x2000x128xf32, #tpu.memory_space<vmem>>, vector<1x2000x128xf32>
    %get3A_8 = vector.shape_cast %get3A_7 : vector<1x2000x128xf32> to vector<2000x128xf32>
    %add3A = arith.addf %get3A_3, %get3A_8 : vector<2000x128xf32>
    %get3A_9 = arith.constant 0 : index
    %get3A_10 = arith.constant 0 : index
    %get3A_11 = arith.constant 0 : index
    %get3A_12 = vector.load %arg3[%get3A_9, %get3A_10, %get3A_11] : memref<2x2000x16xf32, #tpu.memory_space<vmem>>, vector<1x2000x1xf32>
    %get3A_13 = vector.shape_cast %get3A_12 : vector<1x2000x1xf32> to vector<2000x1xf32>
    %get3A_14 = arith.constant 1 : index
    %get3A_15 = arith.constant 0 : index
    %get3A_16 = arith.constant 0 : index
    %get3A_17 = vector.load %arg3[%get3A_14, %get3A_15, %get3A_16] : memref<2x2000x16xf32, #tpu.memory_space<vmem>>, vector<1x2000x1xf32>
    %get3A_18 = vector.shape_cast %get3A_17 : vector<1x2000x1xf32> to vector<2000x1xf32>
    %add3A_19 = arith.addf %get3A_13, %get3A_18 : vector<2000x1xf32>
    %max3A = arith.constant 1.000000e+00 : f32
    %max3A_20 = vector.broadcast %max3A : f32 to vector<2000x1xf32>
    %max3A_21 = arith.maximumf %add3A_19, %max3A_20 : vector<2000x1xf32>
    %div3A = vector.broadcast %max3A_21 : vector<2000x1xf32> to vector<2000x128xf32>
    %div3A_22 = arith.divf %add3A, %div3A : vector<2000x128xf32>
    %get3A_23 = arith.constant 0 : index
    %get3A_24 = arith.constant 0 : index
    %get3A_25 = arith.constant 0 : index
    %get3A_26 = vector.load %arg4[%get3A_23, %get3A_24, %get3A_25] : memref<4x128x128xf32, #tpu.memory_space<vmem>>, vector<4x128x128xf32>
    %reduce_sum3A = arith.constant dense<0.000000e+00> : vector<128x128xf32>
    %reduce_sum3A_27 = vector.multi_reduction <add>, %get3A_26, %reduce_sum3A [0] : vector<4x128x128xf32> to vector<128x128xf32>
    %div3A_28 = arith.constant 4.000000e+00 : f32
    %div3A_29 = vector.broadcast %div3A_28 : f32 to vector<128x128xf32>
    %div3A_30 = arith.divf %reduce_sum3A_27, %div3A_29 : vector<128x128xf32>
    %get3A_31 = arith.constant 0 : index
    %get3A_32 = arith.constant 0 : index
    %get3A_33 = arith.constant 0 : index
    %get3A_34 = vector.load %arg5[%get3A_31, %get3A_32, %get3A_33] : memref<4x128x128xf32, #tpu.memory_space<vmem>>, vector<4x128x128xf32>
    %reduce_sum3A_35 = arith.constant dense<0.000000e+00> : vector<128x128xf32>
    %reduce_sum3A_36 = vector.multi_reduction <add>, %get3A_34, %reduce_sum3A_35 [0] : vector<4x128x128xf32> to vector<128x128xf32>
    %div3A_37 = arith.constant 4.000000e+00 : f32
    %div3A_38 = vector.broadcast %div3A_37 : f32 to vector<128x128xf32>
    %div3A_39 = arith.divf %reduce_sum3A_36, %div3A_38 : vector<128x128xf32>
    %get3A_40 = arith.constant 0 : index
    %get3A_41 = arith.constant 0 : index
    %get3A_42 = vector.load %arg6[%get3A_40, %get3A_41] : memref<4x128xf32, #tpu.memory_space<vmem>>, vector<4x128xf32>
    %reduce_sum3A_43 = arith.constant dense<0.000000e+00> : vector<128xf32>
    %reduce_sum3A_44 = vector.multi_reduction <add>, %get3A_42, %reduce_sum3A_43 [0] : vector<4x128xf32> to vector<128xf32>
    %div3A_45 = arith.constant 4.000000e+00 : f32
    %div3A_46 = vector.broadcast %div3A_45 : f32 to vector<128xf32>
    %div3A_47 = arith.divf %reduce_sum3A_44, %div3A_46 : vector<128xf32>
    %get3A_48 = arith.constant 0 : index
    %get3A_49 = arith.constant 0 : index
    %get3A_50 = vector.load %arg1[%get3A_48, %get3A_49] : memref<2000x128xf32, #tpu.memory_space<vmem>>, vector<2000x128xf32>
    %dot_general3A = arith.constant dense<0.000000e+00> : vector<2000x128xf32>
    %dot_general3A_51 = tpu.matmul %get3A_50, %div3A_30, %dot_general3A {dimension_numbers = #tpu.dot_dimension_numbers<[1], [0], [0], [1], [0, 0, 1, 1], [], []>, transpose_lhs_hint = false} : vector<2000x128xf32>, vector<128x128xf32>, vector<2000x128xf32> -> vector<2000x128xf32>
    %dot_general3A_52 = arith.constant dense<0.000000e+00> : vector<2000x128xf32>
    %dot_general3A_53 = tpu.matmul %div3A_22, %div3A_39, %dot_general3A_52 {dimension_numbers = #tpu.dot_dimension_numbers<[1], [0], [0], [1], [0, 0, 1, 1], [], []>, transpose_lhs_hint = false} : vector<2000x128xf32>, vector<128x128xf32>, vector<2000x128xf32> -> vector<2000x128xf32>
    %add3A_54 = arith.addf %dot_general3A_51, %dot_general3A_53 : vector<2000x128xf32>
    %broadcast_in_dim3A = vector.shape_cast %div3A_47 : vector<128xf32> to vector<1x128xf32>
    %add3A_55 = vector.broadcast %broadcast_in_dim3A : vector<1x128xf32> to vector<2000x128xf32>
    %add3A_56 = arith.addf %add3A_54, %add3A_55 : vector<2000x128xf32>
    %swap3A = arith.constant 0 : index
    %swap3A_57 = arith.constant 0 : index
    %swap3A_58 = vector.load %arg7[%swap3A, %swap3A_57] : memref<2000x128xf32, #tpu.memory_space<vmem>>, vector<2000x128xf32>
    tpu.vector_store %arg7[%swap3A, %swap3A_57], %add3A_56 {strides = array<i32>} : memref<2000x128xf32, #tpu.memory_space<vmem>>, vector<2000x128xf32>,
    return
  }
  func.func @transform_0(%arg0: i32) -> (i32, i32) {
    %c0_i32 = arith.constant 0 : i32
    %c0_i32_0 = arith.constant 0 : i32
    return %arg0, %c0_i32 : i32, i32
  }
  func.func @transform_1(%arg0: i32) -> (i32, i32, i32) {
    %c0_i32 = arith.constant 0 : i32
    %c0_i32_0 = arith.constant 0 : i32
    %c0_i32_1 = arith.constant 0 : i32
    return %c0_i32, %arg0, %c0_i32_0 : i32, i32, i32
  }
  func.func @transform_2(%arg0: i32) -> (i32, i32, i32) {
    %c0_i32 = arith.constant 0 : i32
    %c0_i32_0 = arith.constant 0 : i32
    %c0_i32_1 = arith.constant 0 : i32
    return %c0_i32, %arg0, %c0_i32_0 : i32, i32, i32
  }
  func.func @transform_3(%arg0: i32) -> (i32, i32, i32) {
    %c0_i32 = arith.constant 0 : i32
    %c0_i32_0 = arith.constant 0 : i32
    %c0_i32_1 = arith.constant 0 : i32
    %c0_i32_2 = arith.constant 0 : i32
    return %c0_i32, %c0_i32_0, %c0_i32_1 : i32, i32, i32
  }
  func.func @transform_4(%arg0: i32) -> (i32, i32, i32) {
    %c0_i32 = arith.constant 0 : i32
    %c0_i32_0 = arith.constant 0 : i32
    %c0_i32_1 = arith.constant 0 : i32
    %c0_i32_2 = arith.constant 0 : i32
    return %c0_i32, %c0_i32_0, %c0_i32_1 : i32, i32, i32
  }
  func.func @transform_5(%arg0: i32) -> (i32, i32) {
    %c0_i32 = arith.constant 0 : i32
    %c0_i32_0 = arith.constant 0 : i32
    %c0_i32_1 = arith.constant 0 : i32
    return %c0_i32, %c0_i32_0 : i32, i32
  }
  func.func @transform_6(%arg0: i32) -> (i32, i32) {
    %c0_i32 = arith.constant 0 : i32
    %c0_i32_0 = arith.constant 0 : i32
    return %arg0, %c0_i32 : i32, i32
  }
}

</mosaic_0001>

<sc_bundles>
// kernel: kernel.4.cloned.1.call-start
scs
__scs_entry_jumppad:
0x0: {  	(pc) =	sbr.rel $0x88, $3  }
0x1: {  	(tag) =	ssettag $0x0;
	lr =	simm.s32 $0x1  }
0x2: {  	[smem:$0x3F9C] =	sst lr;
	_ =	strace $0xD0000000  }
0x3: {  	_ = 	snop  }
0x4: {  	_ = 	snop  }
0x5: {  	_ = 	snop  }
0x6: {  	_ = 	snop  }
0x7: {  	_ = 	snop  }
__scs_overlays_trampoline_lowered:
0x8: {  	[smem:$0x3FAB] =	sst s0  }
0x9: {  	[smem:$0x3FAC] =	sst s1  }
0xa: {  	[smem:$0x3FAD] =	sst s2  }
0xb: {  	[smem:$0x3FAE] =	sst s3  }
0xc: {  	[smem:$0x3FAF] =	sst s4  }
0xd: {  	[smem:$0x3FB0] =	sst s5  }
0xe: {  	[smem:$0x3FB1] =	sst s6  }
0xf: {  	[smem:$0x3FB2] =	sst s7  }
0x10: {  	[smem:$0x3FB3] =	sst s8  }
0x11: {  	[smem:$0x3FB4] =	sst s9;
	s0 =	simm.s32 @!p0 $0x0  }
0x12: {  	s1 =	sld [smem:$0x3F9A];
	s0 =	simm.s32 @p0 $0x1  }
0x13: {  	[smem:$0x3FB5] =	sst s0;
	s0 =	simm.s32 @!p1 $0x0  }
0x14: {  	s2 =	sld [smem:$0x3F99];
	s0 =	simm.s32 @p1 $0x1  }
0x15: {  	[smem:$0x3FB6] =	sst s0;
	s0 =	simm.s32 @!p2 $0x0  }
0x16: {  	s3 =	sld [smem:$0x3FDB];
	s0 =	simm.s32 @p2 $0x1  }
0x17: {  	s4 =	simm.s32 $0x1BF5;
	[smem:$0x3FB8] =	sst s0  }
0x18: {  	s0 =	sld [smem:$0x3F9B];
	_ =	swait.ge [sflag:s4], $0x0  }
0x19: {  	s7 =	sld [smem:$0x3F9C]  }
0x1a: {  	s8 =	sadd.s32 $0xFFFFE003, lr  }
0x1b: {  	s9 =	sadd.s32 $0xFFFFFEF7, lr;
	s5 =	simm.s32 $0xFFFFFFFF;
	p2 =	slt.u32 s8, $0xFFFFF086  }
0x1c: {  	p1 =	slt.u32 s9, $0xF7A;
	s5 =	simm.s32 @!p2 $0x0  }
0x1d: {  	s5 =	simm.s32 @p1 $0x1;
	p0 =	seq.s32 s7, s2  }
0x1e: {  	s7 =	smul.u32 @!p0 $0xF7A, s2;
	p2 =	seq.s32 @!p0 s5, $0x0  }
0x1f: {  	s9 =	smul.u32 $0xF7A, s1;
	s8 =	simm.s32 @!p0 $0x1BF5;
	p2 =	por !p2, p0  }
0x20: {  	[sflag:s8] =	ssyncset.s32 @!p0 $0xFFFFF086;
	s6 =	sadd.s32 @!p0 s3, s7;
	s7 =	simm.s32 @!p0 $0x108  }
0x21: {  	s3 =	sadd.s32 s3, s9;
	s6 =	sadd.s32 @!p0 $0x88, s6;
	s7 =	simm.s32 @p2 $0x1082  }
0x22: {  	[simem:s7], [sflag:s8] =	dma.local @!p0 [hbm:s6], $0xF7A  }
0x23: {  	s9 =	sor.u32 $0xD0000000, s2;
	s6 =	simm.s32 $0x108;
	_ =	swait.ge @!p0 [sflag:s8], $0x0  }
0x24: {  	s3 =	sadd.s32 $0x88, s3;
	s6 =	simm.s32 @!p1 $0x1082;
	[sflag:s4] =	ssyncset.s32 $0xFFFFF086  }
0x25: {  	[simem:s6], [sflag:s4] =	dma.local [hbm:s3], $0xF7A  }
0x26: {  	[smem:$0x3F9C] =	sst s1;
	(tag) =	ssettag s2;
	_ =	strace s9  }
0x27: {  	s1 =	sld [smem:$0x3FAC]  }
0x28: {  	s2 =	sld [smem:$0x3FAD]  }
0x29: {  	s4 =	sld [smem:$0x3FAF]  }
0x2a: {  	p0 =	seq.s32 s5, $0x0;
	s5 =	sld [smem:$0x3FB0]  }
0x2b: {  	s6 =	sld [smem:$0x3FB1]  }
0x2c: {  	s7 =	sld [smem:$0x3FB2]  }
0x2d: {  	s3 =	simm.s32 $0x108;
	s8 =	sld [smem:$0x3FB3]  }
0x2e: {  	s3 =	simm.s32 @!p0 $0x1082;
	s9 =	sld [smem:$0x3FB4]  }
0x2f: {  	lr =	sadd.s32 s0, s3;
	s0 =	sld [smem:$0x3FAB]  }
0x30: {  	s3 =	sld [smem:$0x3FAE]  }
0x31: {  	[smem:$0x3FB7] =	sst s10  }
0x32: {  	s10 =	sld [smem:$0x3FB5];
	_ =	sdelay $0x3  }
0x33: {  	p0 =	seq.s32 s10, $0x1;
	s10 =	sld [smem:$0x3FB7];
	_ =	sdelay $0x3  }
0x34: {  	[smem:$0x3FB7] =	sst s10  }
0x35: {  	s10 =	sld [smem:$0x3FB6];
	_ =	sdelay $0x3  }
0x36: {  	p1 =	seq.s32 s10, $0x1;
	s10 =	sld [smem:$0x3FB7];
	_ =	sdelay $0x3  }
0x37: {  	[smem:$0x3FB7] =	sst s10  }
0x38: {  	s10 =	sld [smem:$0x3FB8]  }
0x39: {  	_ = 	snop;
	(pc) =	sbr.ind lr, $3  }
0x3a: {  	_ = 	snop  }
0x3b: {  	_ = 	snop  }
0x3c: {  	p2 =	seq.s32 s10, $0x1;
	s10 =	sld [smem:$0x3FB7]  }
0x3d: {  	_ =	shalt  }
0x3e: {  	_ =	shalt  }
0x3f: {  	_ =	shalt  }
0x40: {  	_ =	shalt  }
0x41: {  	_ =	shalt  }
0x42: {  	_ =	shalt  }
0x43: {  	_ =	shalt  }
0x44: {  	_ =	shalt  }
0x45: {  	_ =	shalt  }
0x46: {  	_ =	shalt  }
0x47: {  	_ =	shalt  }
0x48: {  	_ =	shalt  }
0x49: {  	_ =	shalt  }
0x4a: {  	_ =	shalt  }
0x4b: {  	_ =	shalt  }
0x4c: {  	_ =	shalt  }
0x4d: {  	_ =	shalt  }
0x4e: {  	_ =	shalt  }
0x4f: {  	_ =	shalt  }
0x50: {  	_ =	shalt  }
0x51: {  	_ =	shalt  }
0x52: {  	_ =	shalt  }
0x53: {  	_ =	shalt  }
0x54: {  	_ =	shalt  }
0x55: {  	_ =	shalt  }
0x56: {  	_ =	shalt  }
0x57: {  	_ =	shalt  }
0x58: {  	_ =	shalt  }
0x59: {  	_ =	shalt  }
0x5a: {  	_ =	shalt  }
0x5b: {  	_ =	shalt  }
0x5c: {  	_ =	shalt  }
0x5d: {  	_ =	shalt  }
0x5e: {  	_ =	shalt  }
0x5f: {  	_ =	shalt  }
0x60: {  	_ =	shalt  }
0x61: {  	_ =	shalt  }
0x62: {  	_ =	shalt  }
0x63: {  	_ =	shalt  }
0x64: {  	_ =	shalt  }
0x65: {  	_ =	shalt  }
0x66: {  	_ =	shalt  }
0x67: {  	_ =	shalt  }
0x68: {  	_ =	shalt  }
0x69: {  	_ =	shalt  }
0x6a: {  	_ =	shalt  }
0x6b: {  	_ =	shalt  }
0x6c: {  	_ =	shalt  }
0x6d: {  	_ =	shalt  }
0x6e: {  	_ =	shalt  }
0x6f: {  	_ =	shalt  }
0x70: {  	_ =	shalt  }
0x71: {  	_ =	shalt  }
0x72: {  	_ =	shalt  }
0x73: {  	_ =	shalt  }
0x74: {  	_ =	shalt  }
0x75: {  	_ =	shalt  }
0x76: {  	_ =	shalt  }
0x77: {  	_ =	shalt  }
0x78: {  	_ =	shalt  }
0x79: {  	_ =	shalt  }
0x7a: {  	_ =	shalt  }
0x7b: {  	_ =	shalt  }
0x7c: {  	_ =	shalt  }
0x7d: {  	_ =	shalt  }
0x7e: {  	_ =	shalt  }
0x7f: {  	_ =	shalt  }
0x80: {  	_ =	shalt  }
0x81: {  	_ =	shalt  }
0x82: {  	_ =	shalt  }
0x83: {  	_ =	shalt  }
0x84: {  	_ =	shalt  }
0x85: {  	_ =	shalt  }
0x86: {  	_ =	shalt  }
0x87: {  	_ =	shalt  }
.Lfunc_end0:
.L_simem_size_0:
called_computation_lowered:
.L_overlay_start_0:
0x88: {  	s2 =	sld [smem:$0x3FD9]  }
0x89: {  	s3 =	sld [smem:$0x3FFE];
	_ =	sdelay $0x1  }
0x8a: {  	s1 =	srdreg.scid  }
0x8b: {  	s0 =	sand.u32 $0x1, s1  }
0x8c: {  	s17 =	sshll.u32 s0, $0xA;
	s2 =	sadd.s32 s3, s2  }
0x8d: {  	s2 =	sadd.s32 s2, s17  }
0x8e: {  	[smem:$0x3FC3] =	sst s2  }
0x8f: {  	_ = 	snop  }
0x90: {  	s2 =	sld [smem:$0x3FC9]  }
0x91: {  	s18 =	sld [smem:$0x3FD0];
	(tm) =	ssettm $0x1  }
0x92: {  	s4 =	sld [smem:$0x3FFB];
	_ =	sdelay $0x3  }
0x93: {  	_ =	strace s4  }
0x94: {  	s4 =	sld [smem:$0x3FFC];
	_ =	sdelay $0x3  }
0x95: {  	_ =	strace s4  }
0x96: {  	s4 =	sld [smem:$0x3FFD];
	_ =	sdelay $0x3  }
0x97: {  	_ =	strace s4  }
0x98: {  	_ =	strace $0x8FFFFFFF  }
0x99: {  	s19 =	sld [smem:$0x3FDB];
	_ =	sdelay $0x1  }
0x9a: {  	s5 =	simm.s32 $_scs_section_size  }
0x9b: {  	s6 =	simm.s32 $_size__tile_overlayer_lowered;
	s7 =	simm.s32 $_tile_overlayer_lowered  }
0x9c: {  	s22 =	simm.s32 $0x1BFF;
	s21 =	sshll.u32 s7, $0x1;
	s4 =	sadd.s32 s5, s19  }
0x9d: {  	s8 =	simm.s32 $0x0;
	s20 =	sshll.u32 s6, $0x1;
	s6 =	sadd.s32 s21, s4  }
0x9e: {  	[timem:s8], [sflag:s22] =	dma.local [hbm:s6], s20  }
0x9f: {  	_ =	swait.ge [sflag:s22], s20  }
0xa0: {  	s5 =	ssub.s32 $0x0, s20;
	[sflag:s22] =	ssyncset.done $0x0  }
0xa1: {  	[sflag:s22] =	ssyncadd.s32 s5;
	_ =	sdelay $0x1  }
0xa2: {  	s23 =	simm.s32 $0x1B8B  }
0xa3: {  	_ =	swait.ge [sflag:s23], $0x1  }
0xa4: {  	[sflag:s23] =	ssyncset.done $0x0  }
0xa5: {  	s25 =	simm.s32 $0x1B8E;
	s24 =	sld [smem:$0x3FFE];
	[sflag:s23] =	ssyncadd.s32 $0xFFFFFFFF  }
0xa6: {  	s26 =	simm.s32 $execute0_lowered;
	[smem:$0x3FD2] =	sst s25  }
0xa7: {  	s6 =	sshll.u32 s26, $0x1;
	_ =	strace $0x80000046;
	[dreg:$0x1] =	wrdreg $0xFFFFFFFF  }
0xa8: {  	s28 =	simm.s32 $_size_execute0_lowered;
	s4 =	sadd.s32 s4, s6;
	[dreg:$0x0] =	wrdreg $0x0  }
0xa9: {  	s6 =	sshll.u32 s28, $0x1;
	[dreg:$0x2] =	wrdreg s4  }
0xaa: {  	[dreg:$0x3] =	wrdreg s6  }
0xab: {  	[dreg:$0x4] =	wrdreg $0xC0  }
0xac: {  	_ =	task [dreg:s8], $0x5FFFF  }
0xad: {  	[dreg:$0x1] =	wrdreg $0xFFFFFFFF  }
0xae: {  	[dreg:$0x0] =	wrdreg $0x60  }
0xaf: {  	[dreg:$0x2] =	wrdreg s2  }
0xb0: {  	[dreg:$0x3] =	wrdreg s18  }
0xb1: {  	[dreg:$0x4] =	wrdreg s24  }
0xb2: {  	[dreg:$0x5] =	wrdreg $0x0  }
0xb3: {  	[dreg:$0x6] =	wrdreg $0x138C00  }
0xb4: {  	[dreg:$0x7] =	wrdreg $0x9  }
0xb5: {  	_ =	task.clear_ibuf [dreg:s8], $0x8FFFF;
	_ =	strace $0x90000046  }
0xb6: {  	s29 =	simm.s32 $0x9;
	_ =	strace $0x80000048  }
0xb7: {  	_ =	swait.ge [sflag:s29], $0x1  }
0xb8: {  	[sflag:s29] =	ssyncadd.s32 $0xFFFFFFFF  }
0xb9: {  	_ =	strace $0x90000048  }
0xba: {  	_ =	sfence  }
0xbb: {  	s30 =	sld [smem:$0x0];
	_ =	sdelay $0x2  }
0xbc: {  	s31 =	sshll.u32 s1, $0xD;
	s1 =	sshrl.u32 s1, $0x2  }
0xbd: {  	s3 =	sand.u32 $0x4000, s31;
	s1 =	sadd.s32 s1, s30  }
0xbe: {  	s0 =	sor.u32 s3, s0;
	s1 =	sshll.u32 s1, $0x11  }
0xbf: {  	s0 =	sor.u32 s1, s0  }
0xc0: {  	s0 =	sadd.s32 $0x8F2B, s0  }
0xc1: {  	[sflag:s0] =	ssyncadd.remote.s32 $0x1  }
0xc2: {  	_ =	sfence.sel $0xFFFF  }
0xc3: {  	[dreg:$0x0] =	wrdreg $0xFFFFFFFF;
	(pc) =	sbr.abs _section_cstart, $3  }
0xc4: {  	[dreg:$0x1] =	wrdreg $0xFFFFFFFF  }
0xc5: {  	_ =	task.clear_ibuf [dreg:s8], $0x2FFFF;
	_ =	strace $0x9FFFFFFF  }
0xc6: {  	(tm) =	ssettm $0x7FFFFFFF  }
0xc7: {  	_ =	shalt  }
tec
execute0_lowered:
.L_overlay_start_1:
0x0: {  	(tag) =	ssettag $0x1  }
0x1: {  	s1 =	rddreg [dreg:$0x0]  }
0x2: {  	s2 =	rddreg [dreg:$0x1]  }
0x3: {  	s0 =	rddreg [dreg:$0x2]  }
0x4: {  	s3 =	rddreg [dreg:$0x3]  }
0x5: {  	s4 =	rddreg [dreg:$0x4];
	s5 =	simm.s32 $0x0;
	s8 =	stileid.u32  }
0x6: {  	s19 =	srdreg.scid;
	s28 =	simm.s32 $0xB;
	s6 =	smul.u32 $0x32000, s8  }
0x7: {  	s29 =	simm.s32 $0x50;
	s30 =	simm.s32 $0x4E200;
	s20 =	smul.u32 $0x6400, s8  }
0x8: {  	s31 =	simm.s32 $0x15FD8;
	[smem:$0x7FF] =	sst s5;
	s13 =	smul.u32 $0xC800, s8  }
0x9: {  	s18 =	sadd.s32 $0x1E00, s0;
	s7 =	sadd.s32 $0x1A00, s0;
	s15 =	smul.u32 $0x1900, s8  }
0xa: {  	s5 =	sand.u32 $0x1, s19;
	s9 =	sadd.s32 $0x1800, s0;
	s19 =	smul.u32 $0x2710, s8  }
0xb: {  	s11 =	sadd.s32 $0xD600, s0;
	s14 =	sor.u32 $0x10, s8;
	s10 =	smul.u32 $0x138800, s5  }
0xc: {  	_ =	strace $0x80000047;
	[dreg:$0x8] =	wrdreg s18;
	s22 =	smul.u32 $0x27100, s5  }
0xd: {  	s0 =	sadd.s32 $0x3800, s0;
	[dreg:$0x9] =	wrdreg s7;
	s16 =	smul.u32 $0xC800, s14  }
0xe: {  	p0 =	sgt.u32 s8, $0x8;
	[dreg:$0xa] =	wrdreg s9;
	s18 =	smul.u32 $0x1900, s14  }
0xf: {  	s21 =	ssub.s32 $0x2, s5;
	s5 =	sshll.u32 s5, $0x4;
	s26 =	smul.u32 $0x32000, s14  }
0x10: {  	s12 =	sshrl.u32 s21, $0x1;
	s5 =	sor.u32 s8, s5;
	s6 =	sshrl.u32 s6, $0x2  }
0x11: {  	s7 =	sshrl.u32 s20, $0x2;
	s9 =	ssub.s32 s21, s12;
	s17 =	sadd.s32 s13, s10  }
0x12: {  	s10 =	sadd.s32 s10, s16;
	s23 =	sadd.s32 s15, s22;
	s24 =	sadd.s32 s22, s18  }
0x13: {  	s25 =	sadd.s32 s19, s22;
	s6 =	sadd.s32 s6, s3;
	s7 =	sadd.s32 s7, s4  }
0x14: {  	s12 =	sshrl.u32 s26, $0x2;
	s5 =	smul.u32 $0x2710, s5;
	s22 =	sadd.s32 s13, s3  }
0x15: {  	s13 =	sadd.s32 s16, s3;
	s16 =	simm.s32 $0x16208;
	s17 =	sshrl.u32 s17, $0x3  }
0x16: {  	s10 =	sshrl.u32 s10, $0x3;
	s19 =	sadd.s32 $0x50, s25;
	s9 =	smax.u32 s9, $0x1  }
0x17: {  	s6 =	sshrl.u32 s6, $0x3;
	s17 =	sadd.s32 s11, s17;
	[dreg:$0x11] =	wrdreg s9  }
0x18: {  	s10 =	sadd.s32 s11, s10;
	s5 =	sshrl.u32 s5, $0x3;
	[dreg:$0x13] =	wrdreg s6  }
0x19: {  	s9 =	simm.s32 $0x18AA8;
	s11 =	simm.s32 $0x2;
	[dreg:$0xb] =	wrdreg s17  }
0x1a: {  	[dreg:$0xc] =	wrdreg s10;
	s17 =	sshrl.u32 s23, $0x3;
	s20 =	sadd.s32 s2, s5  }
0x1b: {  	s10 =	sshrl.u32 s24, $0x3;
	s24 =	sadd.s32 $0xF0, s25;
	[dreg:$0xf] =	wrdreg s20  }
0x1c: {  	s23 =	sadd.s32 s15, s4;
	s17 =	sadd.s32 s0, s17;
	[dreg:$0x12] =	wrdreg s24  }
0x1d: {  	s15 =	simm.s32 $0x3;
	s0 =	sadd.s32 s0, s10;
	[dreg:$0xd] =	wrdreg s17  }
0x1e: {  	s10 =	sadd.s32 $0xA0, s25;
	s21 =	sadd.s32 $0x4D8, s20;
	[dreg:$0xe] =	wrdreg s0  }
0x1f: {  	s25 =	sshrl.u32 s7, $0x3;
	s26 =	sshrl.u32 s23, $0x3;
	[dreg:$0x10] =	wrdreg s21  }
0x20: {  	s0 =	sshrl.u32 s10, $0x3;
	s17 =	smul.u32 $0x6400, s14;
	[dreg:$0x14] =	wrdreg s25  }
0x21: {  	s10 =	sadd.s32 s12, s3;
	s14 =	sadd.s32 s18, s4;
	[dreg:$0x18] =	wrdreg s26  }
0x22: {  	s26 =	simm.s32 $0x1DAA8;
	s21 =	simm.s32 $0x6;
	s25 =	simm.s32 $0x0  }
0x23: {  	s0 =	sadd.s32 s0, s2;
	s6 =	sshrl.u32 @!p0 s10, $0x3;
	s10 =	simm.s32 $0x16118  }
0x24: {  	[dreg:$0x6] =	wrdreg s0;
	s0 =	sshrl.u32 s19, $0x3;
	s12 =	sshrl.u32 s17, $0x2  }
0x25: {  	[dreg:$0x15] =	wrdreg s6;
	s0 =	sadd.s32 s0, s2;
	s5 =	sadd.s32 s12, s4  }
0x26: {  	s6 =	simm.s32 $0x162A8;
	[dreg:$0x7] =	wrdreg s0;
	s5 =	sshrl.u32 @!p0 s5, $0x3  }
0x27: {  	s12 =	simm.s32 $0x161B8;
	s0 =	sshrl.u32 s22, $0x3;
	[dreg:$0x16] =	wrdreg s5  }
0x28: {  	s22 =	simm.s32 $0x9;
	[dreg:$0x17] =	wrdreg s0;
	s0 =	sshrl.u32 @!p0 s13, $0x3  }
0x29: {  	s5 =	simm.s32 $0x16078;
	[dreg:$0x19] =	wrdreg s0;
	s0 =	sshrl.u32 @!p0 s14, $0x3  }
0x2a: {  	s13 =	simm.s32 $0x1B2A8;
	[dreg:$0x1a] =	wrdreg s0;
	s0 =	simm.s32 $0x1  }
.LBB2_1:
0x2b: {  	s7 =	simm.s32 $0x0;
	s8 =	rddreg [dreg:$0xa];
	s14 =	stileid.u32  }
0x2c: {  	[tilespmem:s26], [sflag:$0xB] =	stream.linear.gather [hbm4b:s8+s7], $0x500, $0x38;
	[tilespmem:$0x1DFA8] =	vst v63  }
0x2d: {  	s7 =	sshll.u32 s14, $0x6;
	_ =	swait.ge [sflag:s28], $0x500  }
0x2e: {  	s14 =	sor.u32 $0x1C0B, s7;
	[sflag:s28] =	ssyncset.done $0x0;
	s7 =	rddreg [dreg:$0x8]  }
0x2f: {  	s17 =	rddreg [dreg:$0x13];
	[sflag:s28] =	ssyncadd.s32 $0xFFFFFB00  }
0x30: {  	[spmem:s17], [sflag:s14] =	dma.local [hbm:s7], $0x1900  }
0x31: {  	_ =	swait.ge [sflag:s28], $0x1900  }
0x32: {  	[sflag:s28] =	ssyncset.done $0x0;
	s8 =	rddreg [dreg:$0x9]  }
0x33: {  	s17 =	rddreg [dreg:$0x14];
	[sflag:s28] =	ssyncadd.s32 $0xFFFFE700  }
0x34: {  	[spmem:s17], [sflag:s14] =	dma.local [hbm:s8], $0x320  }
0x35: {  	_ =	swait.ge [sflag:s28], $0x320  }
0x36: {  	[sflag:s28] =	ssyncset.done $0x0  }
0x37: {  	s17 =	rddreg [dreg:$0x15];
	[sflag:s28] =	ssyncadd.s32 $0xFFFFFCE0  }
0x38: {  	[spmem:s17], [sflag:s14] =	dma.local @!p0 [hbm:s7], $0x1900  }
0x39: {  	s7 =	simm.s32 @!p0 $0xB  }
0x3a: {  	_ =	swait.ge @!p0 [sflag:s7], $0x1900  }
0x3b: {  	[sflag:s7] =	ssyncset.done @!p0 $0x0  }
0x3c: {  	s17 =	rddreg [dreg:$0x16];
	[sflag:s7] =	ssyncadd.s32 @!p0 $0xFFFFE700  }
0x3d: {  	[spmem:s17], [sflag:s14] =	dma.local @!p0 [hbm:s8], $0x320  }
0x3e: {  	_ =	swait.ge @!p0 [sflag:s7], $0x320  }
0x3f: {  	[sflag:s7] =	ssyncset.done @!p0 $0x0  }
0x40: {  	[sflag:s7] =	ssyncadd.s32 @!p0 $0xFFFFFCE0  }
0x41: {  	[bflag:$0x0] =	sbarrier.arrive $0xFFFF  }
0x42: {  	s18 =	rddreg [dreg:$0xf]  }
0x43: {  	[tilespmem:s31], [sflag:$0x1] =	stream.strided.gather [hbm4b:s18+s29], $0xA0, s30, s29, $0x38;
	[tilespmem:$0x1DFA8] =	vst v63  }
0x44: {  	_ =	swait.ge [sflag:s0], $0xA0  }
0x45: {  	p1 =	por $0x1, $0x1;
	[sflag:s0] =	ssyncset.done $0x0  }
0x46: {  	s7 =	simm.s32 @!p1 $0x5;
	[sflag:s0] =	ssyncadd.s32 $0xFFFFFF60  }
0x47: {  	_ =	swait.ge @!p1 [sflag:s7], $0x2800  }
0x48: {  	[sflag:s7] =	ssyncset.done @!p1 $0x0  }
0x49: {  	[sflag:s7] =	ssyncadd.s32 @!p1 $0xFFFFD800;
	s7 =	simm.s32 @!p1 $0x8  }
0x4a: {  	_ =	swait.ge @!p1 [sflag:s7], $0x500  }
0x4b: {  	[sflag:s7] =	ssyncset.done @!p1 $0x0  }
0x4c: {  	p2 =	por $0x0, $0x0;
	s19 =	rddreg [dreg:$0x7];
	[sflag:s7] =	ssyncadd.s32 @!p1 $0xFFFFFB00  }
0x4d: {  	[tilespmem:s6], [sflag:$0x2] =	stream.indirect.gather [hbm4b:s1+s29], $0x80, s31, s29, $0xb8;
	[tilespmem:$0x1DFA8] =	vst v63  }
0x4e: {  	s20 =	sadd.s32 $0x0, s19;
	s7 =	simm.s32 @p2 $0x4  }
0x4f: {  	[tilespmem:s5], [sflag:$0x1] =	stream.strided.gather [hbm4b:s20+s29], $0xA0, s30, s29, $0x38;
	[tilespmem:$0x1DFA8] =	vst v63  }
0x50: {  	_ =	swait.ge @p2 [sflag:s7], $0x2800  }
0x51: {  	[sflag:s7] =	ssyncset.done @p2 $0x0  }
0x52: {  	[sflag:s7] =	ssyncadd.s32 @p2 $0xFFFFD800  }
0x53: {  	v0 =	vld @p2 [tilespmem:$0x161A8]  }
0x54: {  	v1 =	vld @p2 [tilespmem:$0x16198]  }
0x55: {  	v2 =	vld @p2 [tilespmem:$0x16168]  }
0x56: {  	v3 =	vld @p2 [tilespmem:$0x16188]  }
0x57: {  	v4 =	vld @p2 [tilespmem:$0x16178]  }
0x58: {  	[tilespmem:$0x16298] =	vst @p2 v0  }
0x59: {  	[tilespmem:$0x16288] =	vst @p2 v1  }
0x5a: {  	[tilespmem:$0x16258] =	vst @p2 v2  }
0x5b: {  	[tilespmem:$0x16278] =	vst @p2 v3  }
0x5c: {  	s17 =	simm.s32 @p2 $0x16258;
	s20 =	simm.s32 @p2 $0x1B2A8;
	s7 =	simm.s32 @p2 $0x50;
	[tilespmem:$0x16268] =	vst @p2 v4  }
0x5d: {  	[spmem:s3] =	stream.indirect.scatter.add.f32 @p2 [tilespmem:s20], [sflag:$0x7], $0x80, s17, s7, $0xb8;
	[tilespmem:$0x1DFA8] =	vst v63  }
0x5e: {  	s20 =	simm.s32 @p2 $0x1DAA8  }
0x5f: {  	[spmem:s4] =	stream.indirect.scatter.add.f32 @p2 [tilespmem:s20], [sflag:$0xA], $0x10, s17, s7, $0xb8;
	[tilespmem:$0x1DFA8] =	vst v63  }
0x60: {  	s7 =	simm.s32 @p2 $0x1  }
0x61: {  	_ =	swait.ge @p2 [sflag:s7], $0xA0  }
0x62: {  	[sflag:s7] =	ssyncset.done @p2 $0x0  }
0x63: {  	[sflag:s7] =	ssyncadd.s32 @p2 $0xFFFFFF60;
	s7 =	simm.s32 @p2 $0x6  }
0x64: {  	_ =	swait.ge @p2 [sflag:s7], $0x2800  }
0x65: {  	[sflag:s7] =	ssyncset.done @p2 $0x0  }
0x66: {  	[sflag:s7] =	ssyncadd.s32 @p2 $0xFFFFD800;
	s7 =	simm.s32 @p2 $0x9  }
0x67: {  	_ =	swait.ge @p2 [sflag:s7], $0x500  }
0x68: {  	[sflag:s7] =	ssyncset.done @p2 $0x0  }
0x69: {  	[sflag:s7] =	ssyncadd.s32 @p2 $0xFFFFFB00;
	s7 =	simm.s32 @!p2 $0x1  }
0x6a: {  	_ =	swait.ge @!p2 [sflag:s7], $0xA0  }
0x6b: {  	[sflag:s7] =	ssyncset.done @!p2 $0x0  }
0x6c: {  	s23 =	rddreg [dreg:$0x6];
	[sflag:s7] =	ssyncadd.s32 @!p2 $0xFFFFFF60  }
0x6d: {  	[tilespmem:s9], [sflag:$0x3] =	stream.indirect.gather [hbm4b:s1+s29], $0x80, s5, s29, $0xb8;
	[tilespmem:$0x1DFA8] =	vst v63  }
0x6e: {  	s24 =	sadd.s32 $0x0, s23  }
0x6f: {  	[tilespmem:s10], [sflag:$0x1] =	stream.strided.gather [hbm4b:s24+s29], $0xA0, s30, s29, $0x38;
	[tilespmem:$0x1DFA8] =	vst v63  }
0x70: {  	_ =	swait.ge [sflag:s11], $0x2800  }
0x71: {  	[sflag:s11] =	ssyncset.done $0x0  }
0x72: {  	[sflag:s11] =	ssyncadd.s32 $0xFFFFD800  }
0x73: {  	v0 =	vld [tilespmem:$0x16038]  }
0x74: {  	s17 =	rddreg [dreg:$0x12];
	v1 =	vld [tilespmem:$0x16048]  }
0x75: {  	s23 =	simm.s32 $0x1E;
	s20 =	sshrl.u32 s17, $0x3;
	v2 =	vld [tilespmem:$0x16058]  }
.LBB2_2:
0x76: {  	v3 =	vld [tilespmem:$0x16068]  }
0x77: {  	v4 =	vld [tilespmem:$0x16028]  }
0x78: {  	[tilespmem:$0x161C8] =	vst v0  }
0x79: {  	[tilespmem:$0x161D8] =	vst v1  }
0x7a: {  	[tilespmem:$0x161E8] =	vst v2  }
0x7b: {  	[tilespmem:$0x161F8] =	vst v3  }
0x7c: {  	[tilespmem:$0x161B8] =	vst v4  }
0x7d: {  	[spmem:s3] =	stream.indirect.scatter.add.f32 [tilespmem:s6], [sflag:$0x5], $0x80, s12, s29, $0xb8;
	[tilespmem:$0x1DFA8] =	vst v63  }
0x7e: {  	_ = 	snop  }
0x7f: {  	[spmem:s4] =	stream.indirect.scatter.add.f32 [tilespmem:s26], [sflag:$0x8], $0x10, s12, s29, $0xb8;
	[tilespmem:$0x1DFA8] =	vst v63  }
0x80: {  	_ =	swait.ge [sflag:s0], $0xA0  }
0x81: {  	[sflag:s0] =	ssyncset.done $0x0  }
0x82: {  	s24 =	simm.s32 @!p1 $0x7;
	[sflag:s0] =	ssyncadd.s32 $0xFFFFFF60  }
0x83: {  	_ =	swait.ge @!p1 [sflag:s24], $0x2800  }
0x84: {  	[sflag:s24] =	ssyncset.done @!p1 $0x0  }
0x85: {  	[sflag:s24] =	ssyncadd.s32 @!p1 $0xFFFFD800;
	s24 =	simm.s32 @!p1 $0xA  }
0x86: {  	_ =	swait.ge @!p1 [sflag:s24], $0x500  }
0x87: {  	[sflag:s24] =	ssyncset.done @!p1 $0x0  }
0x88: {  	[sflag:s24] =	ssyncadd.s32 @!p1 $0xFFFFFB00  }
0x89: {  	[tilespmem:s13], [sflag:$0x4] =	stream.indirect.gather [hbm4b:s1+s29], $0x80, s10, s29, $0xb8;
	[tilespmem:$0x1DFA8] =	vst v63  }
0x8a: {  	s19 =	sadd.s32 s2, s20  }
0x8b: {  	[tilespmem:s31], [sflag:$0x1] =	stream.strided.gather [hbm4b:s19+s29], $0xA0, s30, s29, $0x38;
	[tilespmem:$0x1DFA8] =	vst v63  }
0x8c: {  	_ =	swait.ge [sflag:s15], $0x2800  }
0x8d: {  	[sflag:s15] =	ssyncset.done $0x0  }
0x8e: {  	[sflag:s15] =	ssyncadd.s32 $0xFFFFD800  }
0x8f: {  	v0 =	vld [tilespmem:$0x160C8]  }
0x90: {  	v1 =	vld [tilespmem:$0x160D8]  }
0x91: {  	v2 =	vld [tilespmem:$0x160E8]  }
0x92: {  	v3 =	vld [tilespmem:$0x160F8]  }
0x93: {  	v63 =	vld [tilespmem:$0x16108]  }
0x94: {  	[tilespmem:$0x16208] =	vst v0  }
0x95: {  	[tilespmem:$0x16218] =	vst v1  }
0x96: {  	[tilespmem:$0x16228] =	vst v2  }
0x97: {  	[tilespmem:$0x16238] =	vst v3  }
0x98: {  	[tilespmem:$0x16248] =	vst v63  }
0x99: {  	[spmem:s3] =	stream.indirect.scatter.add.f32 [tilespmem:s9], [sflag:$0x6], $0x80, s16, s29, $0xb8;
	[tilespmem:$0x1DFA8] =	vst v63  }
0x9a: {  	_ = 	snop  }
0x9b: {  	[spmem:s4] =	stream.indirect.scatter.add.f32 [tilespmem:s26], [sflag:$0x9], $0x10, s16, s29, $0xb8;
	[tilespmem:$0x1DFA8] =	vst v63  }
0x9c: {  	s17 =	sadd.s32 $0xF0, s17;
	s7 =	smov.u32 s23;
	_ =	swait.ge [sflag:s0], $0xA0  }
0x9d: {  	s8 =	sshrl.u32 s17, $0x3;
	p1 =	seq.s32 s7, $0x0;
	[sflag:s0] =	ssyncset.done $0x0  }
0x9e: {  	s20 =	smov.u32 s8;
	s8 =	simm.s32 @!p1 $0x5;
	[sflag:s0] =	ssyncadd.s32 $0xFFFFFF60  }
0x9f: {  	_ =	swait.ge @!p1 [sflag:s8], $0x2800  }
0xa0: {  	[sflag:s8] =	ssyncset.done @!p1 $0x0  }
0xa1: {  	[sflag:s8] =	ssyncadd.s32 @!p1 $0xFFFFD800;
	s8 =	simm.s32 @!p1 $0x8  }
0xa2: {  	_ =	swait.ge @!p1 [sflag:s8], $0x500  }
0xa3: {  	[sflag:s8] =	ssyncset.done @!p1 $0x0  }
0xa4: {  	p3 =	sne.s32 s7, $0x0;
	s18 =	rddreg [dreg:$0x7];
	[sflag:s8] =	ssyncadd.s32 @!p1 $0xFFFFFB00  }
0xa5: {  	[tilespmem:s6], [sflag:$0x2] =	stream.indirect.gather [hbm4b:s1+s29], $0x80, s31, s29, $0xb8;
	[tilespmem:$0x1DFA8] =	vst v63  }
0xa6: {  	s19 =	sadd.s32 s7, s18;
	s8 =	simm.s32 @p3 $0x4  }
0xa7: {  	[tilespmem:s5], [sflag:$0x1] =	stream.strided.gather [hbm4b:s19+s29], $0xA0, s30, s29, $0x38;
	[tilespmem:$0x1DFA8] =	vst v63  }
0xa8: {  	_ =	swait.ge @p3 [sflag:s8], $0x2800  }
0xa9: {  	[sflag:s8] =	ssyncset.done @p3 $0x0  }
0xaa: {  	[sflag:s8] =	ssyncadd.s32 @p3 $0xFFFFD800  }
0xab: {  	v0 =	vld @p3 [tilespmem:$0x161A8]  }
0xac: {  	v1 =	vld @p3 [tilespmem:$0x16198]  }
0xad: {  	v2 =	vld @p3 [tilespmem:$0x16168]  }
0xae: {  	v3 =	vld @p3 [tilespmem:$0x16188]  }
0xaf: {  	v4 =	vld @p3 [tilespmem:$0x16178]  }
0xb0: {  	[tilespmem:$0x16298] =	vst @p3 v0  }
0xb1: {  	[tilespmem:$0x16288] =	vst @p3 v1  }
0xb2: {  	[tilespmem:$0x16258] =	vst @p3 v2  }
0xb3: {  	[tilespmem:$0x16278] =	vst @p3 v3  }
0xb4: {  	s24 =	simm.s32 @p3 $0x16258;
	s18 =	simm.s32 @p3 $0x1B2A8;
	s8 =	simm.s32 @p3 $0x50;
	[tilespmem:$0x16268] =	vst @p3 v4  }
0xb5: {  	[spmem:s3] =	stream.indirect.scatter.add.f32 @p3 [tilespmem:s18], [sflag:$0x7], $0x80, s24, s8, $0xb8;
	[tilespmem:$0x1DFA8] =	vst v63  }
0xb6: {  	s19 =	simm.s32 @p3 $0x1;
	s18 =	simm.s32 @p3 $0x1DAA8  }
0xb7: {  	[spmem:s4] =	stream.indirect.scatter.add.f32 @p3 [tilespmem:s18], [sflag:$0xA], $0x10, s24, s8, $0xb8;
	[tilespmem:$0x1DFA8] =	vst v63  }
0xb8: {  	_ =	swait.ge @p3 [sflag:s19], $0xA0  }
0xb9: {  	[sflag:s19] =	ssyncset.done @p3 $0x0  }
0xba: {  	s8 =	simm.s32 @p3 $0x6;
	[sflag:s19] =	ssyncadd.s32 @p3 $0xFFFFFF60  }
0xbb: {  	_ =	swait.ge @p3 [sflag:s8], $0x2800  }
0xbc: {  	[sflag:s8] =	ssyncset.done @p3 $0x0  }
0xbd: {  	[sflag:s8] =	ssyncadd.s32 @p3 $0xFFFFD800;
	s8 =	simm.s32 @p3 $0x9  }
0xbe: {  	_ =	swait.ge @p3 [sflag:s8], $0x500  }
0xbf: {  	[sflag:s8] =	ssyncset.done @p3 $0x0  }
0xc0: {  	[sflag:s8] =	ssyncadd.s32 @p3 $0xFFFFFB00;
	s8 =	simm.s32 @!p3 $0x1  }
0xc1: {  	_ =	swait.ge @!p3 [sflag:s8], $0xA0  }
0xc2: {  	[sflag:s8] =	ssyncset.done @!p3 $0x0  }
0xc3: {  	s24 =	rddreg [dreg:$0x6];
	[sflag:s8] =	ssyncadd.s32 @!p3 $0xFFFFFF60  }
0xc4: {  	[tilespmem:s9], [sflag:$0x3] =	stream.indirect.gather [hbm4b:s1+s29], $0x80, s5, s29, $0xb8;
	[tilespmem:$0x1DFA8] =	vst v63  }
0xc5: {  	s23 =	sadd.s32 $0x1E, s23;
	s7 =	sadd.s32 s7, s24  }
0xc6: {  	[tilespmem:s10], [sflag:$0x1] =	stream.strided.gather [hbm4b:s7+s29], $0xA0, s30, s29, $0x38;
	[tilespmem:$0x1DFA8] =	vst v63  }
0xc7: {  	p2 =	sne.s32 s23, $0x4CE;
	_ =	swait.ge [sflag:s11], $0x2800  }
.Ltmp0:
0xc8: {  	[sflag:s11] =	ssyncset.done $0x0;
	(pc) =	sbr.rel @p2 .LBB2_2-.Ltmp0, $4  }
0xc9: {  	[sflag:s11] =	ssyncadd.s32 $0xFFFFD800  }
0xca: {  	v0 =	vld [tilespmem:$0x16038]  }
0xcb: {  	v1 =	vld [tilespmem:$0x16048]  }
0xcc: {  	v2 =	vld [tilespmem:$0x16058]  }
0xcd: {  	v3 =	vld [tilespmem:$0x16068]  }
0xce: {  	v4 =	vld [tilespmem:$0x16028]  }
0xcf: {  	[tilespmem:$0x161C8] =	vst v0  }
0xd0: {  	[tilespmem:$0x161D8] =	vst v1  }
0xd1: {  	[tilespmem:$0x161E8] =	vst v2  }
0xd2: {  	[tilespmem:$0x161F8] =	vst v3  }
0xd3: {  	[tilespmem:$0x161B8] =	vst v4  }
0xd4: {  	[spmem:s3] =	stream.indirect.scatter.add.f32 [tilespmem:s6], [sflag:$0x5], $0x80, s12, s29, $0xb8;
	[tilespmem:$0x1DFA8] =	vst v63  }
0xd5: {  	_ = 	snop  }
0xd6: {  	[spmem:s4] =	stream.indirect.scatter.add.f32 [tilespmem:s26], [sflag:$0x8], $0x10, s12, s29, $0xb8;
	[tilespmem:$0x1DFA8] =	vst v63  }
0xd7: {  	_ =	swait.ge [sflag:s0], $0xA0  }
0xd8: {  	[sflag:s0] =	ssyncset.done $0x0  }
0xd9: {  	s7 =	simm.s32 @!p1 $0x7;
	[sflag:s0] =	ssyncadd.s32 $0xFFFFFF60  }
0xda: {  	_ =	swait.ge @!p1 [sflag:s7], $0x2800  }
0xdb: {  	[sflag:s7] =	ssyncset.done @!p1 $0x0  }
0xdc: {  	[sflag:s7] =	ssyncadd.s32 @!p1 $0xFFFFD800;
	s7 =	simm.s32 @!p1 $0xA  }
0xdd: {  	_ =	swait.ge @!p1 [sflag:s7], $0x500  }
0xde: {  	[sflag:s7] =	ssyncset.done @!p1 $0x0  }
0xdf: {  	[sflag:s7] =	ssyncadd.s32 @!p1 $0xFFFFFB00  }
0xe0: {  	[tilespmem:s13], [sflag:$0x4] =	stream.indirect.gather [hbm4b:s1+s29], $0x80, s10, s29, $0xb8;
	[tilespmem:$0x1DFA8] =	vst v63  }
0xe1: {  	s17 =	sadd.s32 s2, s20  }
0xe2: {  	[tilespmem:s31], [sflag:$0x1] =	stream.strided.gather [hbm4b:s17+s29], $0xA0, s30, s29, $0x38;
	[tilespmem:$0x1DFA8] =	vst v63  }
0xe3: {  	_ =	swait.ge [sflag:s15], $0x2800  }
0xe4: {  	[sflag:s15] =	ssyncset.done $0x0  }
0xe5: {  	[sflag:s15] =	ssyncadd.s32 $0xFFFFD800  }
0xe6: {  	v44 =	vld [tilespmem:$0x160C8]  }
0xe7: {  	v45 =	vld [tilespmem:$0x160D8]  }
0xe8: {  	v46 =	vld [tilespmem:$0x160E8]  }
0xe9: {  	v47 =	vld [tilespmem:$0x160F8]  }
0xea: {  	v48 =	vld [tilespmem:$0x16108]  }
0xeb: {  	[tilespmem:$0x16208] =	vst v44  }
0xec: {  	[tilespmem:$0x16218] =	vst v45  }
0xed: {  	[tilespmem:$0x16228] =	vst v46  }
0xee: {  	[tilespmem:$0x16238] =	vst v47  }
0xef: {  	[tilespmem:$0x16248] =	vst v48  }
0xf0: {  	[spmem:s3] =	stream.indirect.scatter.add.f32 [tilespmem:s9], [sflag:$0x6], $0x80, s16, s29, $0xb8;
	[tilespmem:$0x1DFA8] =	vst v63  }
0xf1: {  	_ = 	snop  }
0xf2: {  	[spmem:s4] =	stream.indirect.scatter.add.f32 [tilespmem:s26], [sflag:$0x9], $0x10, s16, s29, $0xb8;
	[tilespmem:$0x1DFA8] =	vst v63  }
0xf3: {  	_ =	swait.ge [sflag:s0], $0xA0  }
0xf4: {  	[sflag:s0] =	ssyncset.done $0x0  }
0xf5: {  	s8 =	simm.s32 $0x5;
	[sflag:s0] =	ssyncadd.s32 $0xFFFFFF60  }
0xf6: {  	_ =	swait.ge [sflag:s8], $0x2800  }
0xf7: {  	[sflag:s8] =	ssyncset.done $0x0  }
0xf8: {  	s17 =	simm.s32 $0x8;
	[sflag:s8] =	ssyncadd.s32 $0xFFFFD800  }
0xf9: {  	_ =	swait.ge [sflag:s17], $0x500  }
0xfa: {  	[sflag:s17] =	ssyncset.done $0x0  }
0xfb: {  	[sflag:s17] =	ssyncadd.s32 $0xFFFFFB00  }
0xfc: {  	[tilespmem:s6], [sflag:$0x2] =	stream.indirect.gather [hbm4b:s1+s29], $0x80, s31, s29, $0xb8;
	[tilespmem:$0x1DFA8] =	vst v63  }
0xfd: {  	s19 =	simm.s32 $0x4;
	s18 =	rddreg [dreg:$0x10]  }
0xfe: {  	[tilespmem:s5], [sflag:$0x1] =	stream.strided.gather [hbm4b:s18+s29], $0xA0, s30, s29, $0x38;
	[tilespmem:$0x1DFA8] =	vst v63  }
0xff: {  	_ =	swait.ge [sflag:s19], $0x2800  }
0x100: {  	[sflag:s19] =	ssyncset.done $0x0  }
0x101: {  	[sflag:s19] =	ssyncadd.s32 $0xFFFFD800  }
0x102: {  	v49 =	vld [tilespmem:$0x16168]  }
0x103: {  	v50 =	vld [tilespmem:$0x16178]  }
0x104: {  	v51 =	vld [tilespmem:$0x16188]  }
0x105: {  	v52 =	vld [tilespmem:$0x16198]  }
0x106: {  	v53 =	vld [tilespmem:$0x161A8]  }
0x107: {  	[tilespmem:$0x16258] =	vst v49  }
0x108: {  	[tilespmem:$0x16268] =	vst v50  }
0x109: {  	[tilespmem:$0x16278] =	vst v51  }
0x10a: {  	[tilespmem:$0x16288] =	vst v52  }
0x10b: {  	s20 =	simm.s32 $0x16258;
	[tilespmem:$0x16298] =	vst v53  }
0x10c: {  	[spmem:s3] =	stream.indirect.scatter.add.f32 [tilespmem:s13], [sflag:$0x7], $0x80, s20, s29, $0xb8;
	[tilespmem:$0x1DFA8] =	vst v63  }
0x10d: {  	_ = 	snop  }
0x10e: {  	[spmem:s4] =	stream.indirect.scatter.add.f32 [tilespmem:s26], [sflag:$0xA], $0x10, s20, s29, $0xb8;
	[tilespmem:$0x1DFA8] =	vst v63  }
0x10f: {  	_ =	swait.ge [sflag:s0], $0xA0  }
0x110: {  	[sflag:s0] =	ssyncset.done $0x0  }
0x111: {  	[sflag:s0] =	ssyncadd.s32 $0xFFFFFF60  }
0x112: {  	_ =	swait.ge [sflag:s21], $0x2800  }
0x113: {  	[sflag:s21] =	ssyncset.done $0x0  }
0x114: {  	[sflag:s21] =	ssyncadd.s32 $0xFFFFD800  }
0x115: {  	_ =	swait.ge [sflag:s22], $0x500  }
0x116: {  	[sflag:s22] =	ssyncset.done $0x0  }
0x117: {  	[sflag:s22] =	ssyncadd.s32 $0xFFFFFB00  }
0x118: {  	[tilespmem:s9], [sflag:$0x3] =	stream.indirect.gather [hbm4b:s1+s29], $0x80, s5, s29, $0xb8;
	[tilespmem:$0x1DFA8] =	vst v63  }
0x119: {  	_ =	swait.ge [sflag:s11], $0x2800  }
0x11a: {  	[sflag:s11] =	ssyncset.done $0x0  }
0x11b: {  	[sflag:s11] =	ssyncadd.s32 $0xFFFFD800  }
0x11c: {  	v54 =	vld [tilespmem:$0x16028]  }
0x11d: {  	v55 =	vld [tilespmem:$0x16038]  }
0x11e: {  	v56 =	vld [tilespmem:$0x16048]  }
0x11f: {  	v57 =	vld [tilespmem:$0x16058]  }
0x120: {  	v58 =	vld [tilespmem:$0x16068]  }
0x121: {  	[tilespmem:$0x161B8] =	vst v54  }
0x122: {  	[tilespmem:$0x161C8] =	vst v55  }
0x123: {  	[tilespmem:$0x161D8] =	vst v56  }
0x124: {  	[tilespmem:$0x161E8] =	vst v57  }
0x125: {  	[tilespmem:$0x161F8] =	vst v58  }
0x126: {  	[spmem:s3] =	stream.indirect.scatter.add.f32 [tilespmem:s6], [sflag:$0x5], $0x80, s12, s29, $0xb8;
	[tilespmem:$0x1DFA8] =	vst v63  }
0x127: {  	_ = 	snop  }
0x128: {  	[spmem:s4] =	stream.indirect.scatter.add.f32 [tilespmem:s26], [sflag:$0x8], $0x10, s12, s29, $0xb8;
	[tilespmem:$0x1DFA8] =	vst v63  }
0x129: {  	_ =	swait.ge [sflag:s15], $0x2800  }
0x12a: {  	[sflag:s15] =	ssyncset.done $0x0  }
0x12b: {  	[sflag:s15] =	ssyncadd.s32 $0xFFFFD800  }
0x12c: {  	v59 =	vld [tilespmem:$0x160C8]  }
0x12d: {  	v60 =	vld [tilespmem:$0x160D8]  }
0x12e: {  	v61 =	vld [tilespmem:$0x160E8]  }
0x12f: {  	v62 =	vld [tilespmem:$0x160F8]  }
0x130: {  	v63 =	vld [tilespmem:$0x16108]  }
0x131: {  	[tilespmem:$0x16208] =	vst v59  }
0x132: {  	[tilespmem:$0x16218] =	vst v60  }
0x133: {  	[tilespmem:$0x16228] =	vst v61  }
0x134: {  	[tilespmem:$0x16238] =	vst v62  }
0x135: {  	[tilespmem:$0x16248] =	vst v63  }
0x136: {  	[spmem:s3] =	stream.indirect.scatter.add.f32 [tilespmem:s9], [sflag:$0x6], $0x80, s16, s29, $0xb8;
	[tilespmem:$0x1DFA8] =	vst v63  }
0x137: {  	s23 =	simm.s32 $0x7  }
0x138: {  	[spmem:s4] =	stream.indirect.scatter.add.f32 [tilespmem:s26], [sflag:$0x9], $0x10, s16, s29, $0xb8;
	[tilespmem:$0x1DFA8] =	vst v63  }
0x139: {  	_ =	swait.ge [sflag:s23], $0x2800  }
0x13a: {  	[sflag:s23] =	ssyncset.done $0x0  }
0x13b: {  	s24 =	simm.s32 $0xA;
	[sflag:s23] =	ssyncadd.s32 $0xFFFFD800  }
0x13c: {  	_ =	swait.ge [sflag:s24], $0x500  }
0x13d: {  	[sflag:s24] =	ssyncset.done $0x0  }
0x13e: {  	[sflag:s24] =	ssyncadd.s32 $0xFFFFFB00  }
0x13f: {  	_ =	swait.ge [sflag:s8], $0x2800  }
0x140: {  	[sflag:s8] =	ssyncset.done $0x0  }
0x141: {  	[sflag:s8] =	ssyncadd.s32 $0xFFFFD800  }
0x142: {  	_ =	swait.ge [sflag:s17], $0x500  }
0x143: {  	[sflag:s17] =	ssyncset.done $0x0  }
0x144: {  	[sflag:s17] =	ssyncadd.s32 $0xFFFFFB00  }
0x145: {  	_ =	swait.ge [sflag:s21], $0x2800  }
0x146: {  	[sflag:s21] =	ssyncset.done $0x0  }
0x147: {  	[sflag:s21] =	ssyncadd.s32 $0xFFFFD800  }
0x148: {  	_ =	swait.ge [sflag:s22], $0x500  }
0x149: {  	[sflag:s22] =	ssyncset.done $0x0  }
0x14a: {  	[sflag:s22] =	ssyncadd.s32 $0xFFFFFB00  }
0x14b: {  	[bflag:$0x0] =	sbarrier.arrive $0xFFFF  }
0x14c: {  	s18 =	rddreg [dreg:$0xb]  }
0x14d: {  	s19 =	rddreg [dreg:$0x17]  }
0x14e: {  	[hbm:s18], [sflag:s14] =	dma.local [spmem:s19], $0x1900  }
0x14f: {  	_ =	swait.ge [sflag:s28], $0x1900  }
0x150: {  	[sflag:s28] =	ssyncset.done $0x0;
	s20 =	rddreg [dreg:$0xd]  }
0x151: {  	s23 =	rddreg [dreg:$0x18];
	[sflag:s28] =	ssyncadd.s32 $0xFFFFE700  }
0x152: {  	[hbm:s20], [sflag:s14] =	dma.local [spmem:s23], $0x320  }
0x153: {  	_ =	swait.ge [sflag:s28], $0x320  }
0x154: {  	[sflag:s28] =	ssyncset.done $0x0;
	s7 =	rddreg [dreg:$0xc]  }
0x155: {  	s8 =	rddreg [dreg:$0x19];
	[sflag:s28] =	ssyncadd.s32 $0xFFFFFCE0  }
0x156: {  	[hbm:s7], [sflag:s14] =	dma.local @!p0 [spmem:s8], $0x1900  }
0x157: {  	s7 =	simm.s32 @!p0 $0xB  }
0x158: {  	_ =	swait.ge @!p0 [sflag:s7], $0x1900  }
0x159: {  	[sflag:s7] =	ssyncset.done @!p0 $0x0;
	s8 =	rddreg [dreg:$0xe]  }
0x15a: {  	s17 =	rddreg [dreg:$0x1a];
	[sflag:s7] =	ssyncadd.s32 @!p0 $0xFFFFE700  }
0x15b: {  	[hbm:s8], [sflag:s14] =	dma.local @!p0 [spmem:s17], $0x320  }
0x15c: {  	_ =	swait.ge @!p0 [sflag:s7], $0x320  }
0x15d: {  	s25 =	sadd.s32 $0x1, s25;
	s24 =	rddreg [dreg:$0x11]  }
0x15e: {  	p1 =	sne.s32 s25, s24  }
.Ltmp1:
0x15f: {  	_ = 	snop;
	(pc) =	sbr.rel @p1 .LBB2_1-.Ltmp1, $3  }
0x160: {  	_ =	sdelay $0x1  }
0x161: {  	[sflag:s7] =	ssyncset.done @!p0 $0x0  }
0x162: {  	[sflag:s7] =	ssyncadd.s32 @!p0 $0xFFFFFCE0  }
0x163: {  	_ =	sfence.sel $0x180000  }
0x164: {  	[bflag:$0x0] =	sbarrier.arrive $0xFFFF  }
0x165: {  	_ =	strace $0x90000047  }
0x166: {  	s0 =	stileid.u32;
	[bflag:$0x2] =	sbarrier.arrive $0xFFFF  }
0x167: {  	p0 =	sne.s32 s0, $0x0;
	s0 =	rddreg [dreg:$0x5]  }
0x168: {  	s0 =	sadd.s32 @!p0 $0x100000, s0  }
0x169: {  	[sflag:s0] =	ssyncadd.tile.s32 @!p0 $0x1;
	_ =	shalt  }
.Lfunc_end2:
_tile_overlayer_lowered:
.L_overlay_start_2:
0x16a: {  	(tag) =	ssettag $0x2  }
0x16b: {  	s0 =	rddreg [dreg:$0x0];
	s2 =	stileid.u32  }
0x16c: {  	s1 =	rddreg [dreg:$0x1];
	p0 =	sne.s32 s2, $0x0  }
0x16d: {  	s3 =	rddreg [dreg:$0x2];
	[bflag:$0x3] =	sbarrier.arrive $0xFFFF;
	s2 =	simm.s32 @!p0 $0x1C0B  }
0x16e: {  	[timem:s3], [sflag:s2] =	dma.local @!p0 [hbm:s0], s1  }
0x16f: {  	s0 =	simm.s32 @!p0 $0xB  }
0x170: {  	_ =	swait.ge @!p0 [sflag:s0], s1  }
0x171: {  	s1 =	ssub.s32 @!p0 $0x0, s1;
	[sflag:s0] =	ssyncset.done @!p0 $0x0  }
0x172: {  	[sflag:s0] =	ssyncadd.s32 @!p0 s1  }
0x173: {  	[bflag:$0x3] =	sbarrier.arrive $0xFFFF  }
0x174: {  	_ =	shalt  }

</sc_bundles>
